<compile_context>
chip_gen: v7x
topology: tpu7x:2x2x1
jax: 0.10.2.dev20260603
libtpu: 0.0.44.dev20260713+nightly
codegen_flags: <defaults>
</compile_context>

<pallas_src>
import jax
import jax.numpy as jnp
import numpy as np
from jax import lax
from jax.experimental import pallas as pl
from jax.experimental.pallas import tpu as pltpu
from jax.experimental.pallas import tpu_sc as plsc

_NC = 2
_NS = 16
_L = 16
_NW = _NC * _NS
_N = 16 * 512 * 512
_W = 512
_NROWS = _N // _W
_BLK = 4
_ROWS_PER_W = _NROWS // _NW
_NCHUNK = _ROWS_PER_W // _BLK

_MU = (0.93, 0.9, 0.88, 0.85, 0.87, 0.85, 0.92, 0.91, 0.96, 0.95, 0.85,
       0.98, 0.97, 0.25, 0.3, 0.28, 0.27, 0.25, 0.28)
_SD = (0.03, 0.05, 0.06, 0.08, 0.07, 0.05, 0.04, 0.04, 0.02, 0.03, 0.1,
       0.01, 0.01, 0.1, 0.12, 0.11, 0.1, 0.1, 0.09)
_MARGIN = 1.5
_BIG = 1.0e9

_TBL = np.array(
    [(m - _MARGIN * s if s < 0.12 else -_BIG) for m, s in zip(_MU, _SD)]
    + [-_BIG] * (32 - len(_MU))
    + [(m + _MARGIN * s if s < 0.12 else _BIG) for m, s in zip(_MU, _SD)]
    + [_BIG] * (32 - len(_SD)),
    dtype=np.float32)


def _sc_body(e_hbm, seg_hbm, tbl_hbm, out_hbm,
             lo_v, hi_v, e_v0, e_v1, s_v0, s_v1, o_v,
             sem_e0, sem_e1, sem_s0, sem_s1):
    cid = lax.axis_index("c")
    sid = lax.axis_index("s")
    wid = sid * _NC + cid
    base = wid * _ROWS_PER_W

    e_hbm = e_hbm.reshape(_NROWS, _W)
    seg_hbm = seg_hbm.reshape(_NROWS, _W)

    pltpu.sync_copy(tbl_hbm.at[pl.ds(0, 32)], lo_v)
    pltpu.sync_copy(tbl_hbm.at[pl.ds(32, 32)], hi_v)

    sem_e = (sem_e0, sem_e1)
    sem_s = (sem_s0, sem_s1)
    e_v = (e_v0, e_v1)
    s_v = (s_v0, s_v1)

    def fire(ci, b):
        r0 = base + jnp.minimum(ci, _NCHUNK - 1) * _BLK
        pltpu.async_copy(e_hbm.at[pl.ds(r0, _BLK)], e_v[b], sem_e[b])
        pltpu.async_copy(seg_hbm.at[pl.ds(r0, _BLK)], s_v[b], sem_s[b])

    def wait(b):
        pltpu.make_async_copy(e_hbm.at[pl.ds(0, _BLK)], e_v[b],
                              sem_e[b]).wait()
        pltpu.make_async_copy(seg_hbm.at[pl.ds(0, _BLK)], s_v[b],
                              sem_s[b]).wait()

    def compute(b, acc):
        eb = e_v[b]
        sb = s_v[b]
        for row in range(_BLK):
            def body(i, c, row=row):
                out = []
                for j, (a_s, a_c) in enumerate(c):
                    idx = sb[row, pl.ds(i + j * _L, _L)]
                    e = eb[row, pl.ds(i + j * _L, _L)]
                    lo = plsc.load_gather(lo_v, [idx])
                    hi = plsc.load_gather(hi_v, [idx])
                    p = jnp.maximum(jnp.maximum(lo - e, e - hi), 0.0)
                    m = jnp.where(hi < 2.0, 1.0, 0.0).astype(jnp.float32)
                    out.append((a_s + p, a_c + m))
                return tuple(out)

            acc = plsc.parallel_loop(0, _W, 2 * _L, unroll=4,
                                     carry=acc)(body)
        return acc

    zero = jnp.zeros((_L,), jnp.float32)
    acc0 = ((zero, zero),) * 2
    fire(0, 0)

    def pair(pi, acc):
        ci = 2 * pi
        fire(ci + 1, 1)
        wait(0)
        acc = compute(0, acc)
        fire(ci + 2, 0)
        wait(1)
        return compute(1, acc)

    acc = lax.fori_loop(0, _NCHUNK // 2, pair, acc0)
    wait(0)

    (s0, c0), (s1, c1) = acc
    o_v[pl.ds(0, _L)] = s0 + s1
    pltpu.sync_copy(o_v, out_hbm.at[pl.ds(wid * _L, _L)])
    o_v[pl.ds(0, _L)] = c0 + c1
    pltpu.sync_copy(o_v, out_hbm.at[pl.ds(_NW * _L + wid * _L, _L)])


_sc_call = pl.kernel(
    _sc_body,
    out_type=jax.ShapeDtypeStruct((2 * _NW * _L,), jnp.float32),
    mesh=plsc.VectorSubcoreMesh(core_axis_name="c", subcore_axis_name="s"),
    compiler_params=pltpu.CompilerParams(needs_layout_passes=False),
    scratch_types=[
        pltpu.VMEM((32,), jnp.float32),
        pltpu.VMEM((32,), jnp.float32),
        pltpu.VMEM((_BLK, _W), jnp.float32),
        pltpu.VMEM((_BLK, _W), jnp.float32),
        pltpu.VMEM((_BLK, _W), jnp.int32),
        pltpu.VMEM((_BLK, _W), jnp.int32),
        pltpu.VMEM((_L,), jnp.float32),
        pltpu.SemaphoreType.DMA,
        pltpu.SemaphoreType.DMA,
        pltpu.SemaphoreType.DMA,
        pltpu.SemaphoreType.DMA,
    ],
)


def kernel(e_pred, seg_mask):
    part = _sc_call(e_pred, seg_mask.astype(jnp.int32), jnp.asarray(_TBL))
    psum = jnp.sum(part[: _NW * _L])
    total = jnp.sum(part[_NW * _L:])
    return jnp.where(total < 1.0, jnp.float32(0.0),
                     psum / jnp.maximum(total, 1.0))

# --- scband reference (transcript-rebuilt; emitter-appended) ---
"""Pipeline reference for scband-semantic-emissivity-loss-27496380629231 (READ-ONLY COPY).

The authoritative reference and input builder live on the scoring server;
editing this copy changes nothing except your own understanding.
"""

import jax, jax.numpy as jnp
import numpy as np

EMISSIVITY_PRIOR = {0: (0.93, 0.03), 1: (0.9, 0.05), 2: (0.88, 0.06), 3: (0.85, 0.08), 4: (0.87, 0.07), 5: (0.85, 0.05), 6: (0.92, 0.04), 7: (0.91, 0.04), 8: (0.96, 0.02), 9: (0.95, 0.03), 10: (0.85, 0.1), 11: (0.98, 0.01), 12: (0.97, 0.01), 13: (0.25, 0.1), 14: (0.3, 0.12), 15: (0.28, 0.11), 16: (0.27, 0.1), 17: (0.25, 0.1), 18: (0.28, 0.09)}
NUM_CLASSES = len(EMISSIVITY_PRIOR)
PRIOR_MEANS = jnp.array([EMISSIVITY_PRIOR[i][0] for i in range(NUM_CLASSES)], dtype=jnp.float32)
PRIOR_STDS = jnp.array([EMISSIVITY_PRIOR[i][1] for i in range(NUM_CLASSES)], dtype=jnp.float32)
MARGIN = 1.5
UNKNOWN_CLASS = -1

def setup_inputs(seed: int = 0) -> dict:
    key = jax.random.key(seed)
    k1, k2 = jax.random.split(key)
    e_pred = jax.random.uniform(k1, (16, 1, 512, 512), dtype=jnp.float32)
    seg_mask = jax.random.randint(k2, (16, 512, 512), 0, 19)
    return {"e_pred": e_pred, "seg_mask": seg_mask}

def reference(e_pred, seg_mask):
    B, _, H, W = e_pred.shape
    e = e_pred[:, 0, :, :]
    flat_mask = jnp.clip(seg_mask.reshape(-1), 0, NUM_CLASSES - 1)
    mu_flat = jnp.take(PRIOR_MEANS, flat_mask, axis=0).reshape(B, H, W)
    sigma_flat = jnp.take(PRIOR_STDS, flat_mask, axis=0).reshape(B, H, W)
    deviation = jnp.abs(e - mu_flat)
    threshold = MARGIN * sigma_flat
    penalty = jax.nn.relu(deviation - threshold)
    valid_mask = (seg_mask != UNKNOWN_CLASS).astype(jnp.float32)
    confident_mask = (sigma_flat < 0.12).astype(jnp.float32)
    final_mask = valid_mask * confident_mask
    total = final_mask.sum()
    loss = jnp.where(total < 1.0, jnp.float32(0.0), (penalty * final_mask).sum() / jnp.maximum(total, 1.0))
    return loss

if __name__ == "__main__":
    import jax
    _d = setup_inputs()
    print(jax.jit(kernel)(*tuple(_d.values())))

</pallas_src>

<mosaic_0001>
#map = affine_map<(d0, d1) -> (0, 0, 0, 0)>
#map1 = affine_map<(d0, d1) -> (0, 0, 0)>
#map2 = affine_map<(d0, d1) -> (0)>
module attributes {stable_mosaic.version = 14 : i64} {
  func.func @_sc_body(%arg0: i32, %arg1: i32, %arg2: memref<16x1x512x512xf32, #tpu.memory_space<hbm>>, %arg3: memref<16x512x512xi32, #tpu.memory_space<hbm>>, %arg4: memref<64xf32, #tpu.memory_space<hbm>>, %arg5: memref<1024xf32, #tpu.memory_space<hbm>>, %arg6: memref<32xf32, #tpu.memory_space<vmem>>, %arg7: memref<32xf32, #tpu.memory_space<vmem>>, %arg8: memref<4x512xf32, #tpu.memory_space<vmem>>, %arg9: memref<4x512xf32, #tpu.memory_space<vmem>>, %arg10: memref<4x512xi32, #tpu.memory_space<vmem>>, %arg11: memref<4x512xi32, #tpu.memory_space<vmem>>, %arg12: memref<16xf32, #tpu.memory_space<vmem>>, %arg13: memref<!tpu.dma_semaphore, #tpu.memory_space<semaphore_mem>>, %arg14: memref<!tpu.dma_semaphore, #tpu.memory_space<semaphore_mem>>, %arg15: memref<!tpu.dma_semaphore, #tpu.memory_space<semaphore_mem>>, %arg16: memref<!tpu.dma_semaphore, #tpu.memory_space<semaphore_mem>>) attributes {dimension_semantics = [#tpu.dimension_semantics<core_parallel>, #tpu.dimension_semantics<subcore_parallel>], iteration_bounds = array<i64: 2, 16>, scalar_prefetch = 0 : i64, scratch_operands = 11 : i64, tpu.core_type = #tpu.core_type<sc_vector_subcore>, window_params = [{transform_indices = #map}, {transform_indices = #map1}, {transform_indices = #map2}, {transform_indices = #map2}]} {
    %mul3A = arith.constant 2 : i32
    %mul3A_0 = arith.muli %arg1, %mul3A : i32
    %add3A = arith.addi %mul3A_0, %arg0 : i32
    %mul3A_1 = arith.constant 256 : i32
    %mul3A_2 = arith.muli %add3A, %mul3A_1 : i32
    "tpu.region"() ({
      %run_scoped3A = tpu.sem_alloc : memref<!tpu.dma_semaphore, #tpu.memory_space<semaphore_mem>>
      %dma_start3A_51 = arith.constant 0 : i32
      %dma_start3A_52 = tpu.memref_slice %arg4[%dma_start3A_51] : memref<64xf32, #tpu.memory_space<hbm>> -> memref<32xf32, #tpu.memory_space<hbm>>
      %dma_start3A_53 = arith.constant 0 : i32
      %dma_start3A_54 = tpu.memref_slice %arg4[%dma_start3A_53] : memref<64xf32, #tpu.memory_space<hbm>> -> memref<32xf32, #tpu.memory_space<hbm>>
      tpu.enqueue_dma source(%dma_start3A_54 : memref<32xf32, #tpu.memory_space<hbm>>) target(%arg6 : memref<32xf32, #tpu.memory_space<vmem>>) target_semaphore(%run_scoped3A : memref<!tpu.dma_semaphore, #tpu.memory_space<semaphore_mem>>)
      %dma_wait3A_55 = arith.constant 0 : i32
      %dma_wait3A_56 = tpu.memref_slice %arg4[%dma_wait3A_55] : memref<64xf32, #tpu.memory_space<hbm>> -> memref<32xf32, #tpu.memory_space<hbm>>
      %dma_wait3A_57 = arith.constant 0 : i32
      %dma_wait3A_58 = tpu.memref_slice %arg4[%dma_wait3A_57] : memref<64xf32, #tpu.memory_space<hbm>> -> memref<32xf32, #tpu.memory_space<hbm>>
      tpu.wait_dma2 semaphore(%run_scoped3A : memref<!tpu.dma_semaphore, #tpu.memory_space<semaphore_mem>>) src(%dma_wait3A_58 : memref<32xf32, #tpu.memory_space<hbm>>) dst(%arg6 : memref<32xf32, #tpu.memory_space<vmem>>)
      tpu.yield
    }) : () -> ()
    "tpu.region"() ({
      %run_scoped3A = tpu.sem_alloc : memref<!tpu.dma_semaphore, #tpu.memory_space<semaphore_mem>>
      %dma_start3A_51 = arith.constant 32 : i32
      %dma_start3A_52 = tpu.memref_slice %arg4[%dma_start3A_51] : memref<64xf32, #tpu.memory_space<hbm>> -> memref<32xf32, #tpu.memory_space<hbm>>
      %dma_start3A_53 = arith.constant 32 : i32
      %dma_start3A_54 = tpu.memref_slice %arg4[%dma_start3A_53] : memref<64xf32, #tpu.memory_space<hbm>> -> memref<32xf32, #tpu.memory_space<hbm>>
      tpu.enqueue_dma source(%dma_start3A_54 : memref<32xf32, #tpu.memory_space<hbm>>) target(%arg7 : memref<32xf32, #tpu.memory_space<vmem>>) target_semaphore(%run_scoped3A : memref<!tpu.dma_semaphore, #tpu.memory_space<semaphore_mem>>)
      %dma_wait3A_55 = arith.constant 32 : i32
      %dma_wait3A_56 = tpu.memref_slice %arg4[%dma_wait3A_55] : memref<64xf32, #tpu.memory_space<hbm>> -> memref<32xf32, #tpu.memory_space<hbm>>
      %dma_wait3A_57 = arith.constant 32 : i32
      %dma_wait3A_58 = tpu.memref_slice %arg4[%dma_wait3A_57] : memref<64xf32, #tpu.memory_space<hbm>> -> memref<32xf32, #tpu.memory_space<hbm>>
      tpu.wait_dma2 semaphore(%run_scoped3A : memref<!tpu.dma_semaphore, #tpu.memory_space<semaphore_mem>>) src(%dma_wait3A_58 : memref<32xf32, #tpu.memory_space<hbm>>) dst(%arg7 : memref<32xf32, #tpu.memory_space<vmem>>)
      tpu.yield
    }) : () -> ()
    %broadcast_in_dim3A = arith.constant 0.000000e+00 : f32
    %broadcast_in_dim3A_3 = vector.broadcast %broadcast_in_dim3A : f32 to vector<16xf32>
    %min3A = arith.constant 0 : i32
    %min3A_4 = arith.constant 63 : i32
    %min3A_5 = arith.minsi %min3A, %min3A_4 : i32
    %mul3A_6 = arith.constant 4 : i32
    %mul3A_7 = arith.muli %min3A_5, %mul3A_6 : i32
    %add3A_8 = arith.addi %mul3A_2, %mul3A_7 : i32
    %dma_start3A = tpu.memref_reshape %arg2 : memref<16x1x512x512xf32, #tpu.memory_space<hbm>> -> memref<8192x512xf32, #tpu.memory_space<hbm>>
    %dma_start3A_9 = arith.constant 0 : i32
    %dma_start3A_10 = tpu.memref_slice %dma_start3A[%add3A_8, %dma_start3A_9] : memref<8192x512xf32, #tpu.memory_space<hbm>> -> memref<4x512xf32, #tpu.memory_space<hbm>>
    %dma_start3A_11 = tpu.memref_reshape %arg2 : memref<16x1x512x512xf32, #tpu.memory_space<hbm>> -> memref<8192x512xf32, #tpu.memory_space<hbm>>
    %dma_start3A_12 = arith.constant 0 : i32
    %dma_start3A_13 = tpu.memref_slice %dma_start3A_11[%add3A_8, %dma_start3A_12] : memref<8192x512xf32, #tpu.memory_space<hbm>> -> memref<4x512xf32, #tpu.memory_space<hbm>>
    tpu.enqueue_dma source(%dma_start3A_13 : memref<4x512xf32, #tpu.memory_space<hbm>>) target(%arg8 : memref<4x512xf32, #tpu.memory_space<vmem>>) target_semaphore(%arg13 : memref<!tpu.dma_semaphore, #tpu.memory_space<semaphore_mem>>)
    %dma_start3A_14 = tpu.memref_reshape %arg3 : memref<16x512x512xi32, #tpu.memory_space<hbm>> -> memref<8192x512xi32, #tpu.memory_space<hbm>>
    %dma_start3A_15 = arith.constant 0 : i32
    %dma_start3A_16 = tpu.memref_slice %dma_start3A_14[%add3A_8, %dma_start3A_15] : memref<8192x512xi32, #tpu.memory_space<hbm>> -> memref<4x512xi32, #tpu.memory_space<hbm>>
    %dma_start3A_17 = tpu.memref_reshape %arg3 : memref<16x512x512xi32, #tpu.memory_space<hbm>> -> memref<8192x512xi32, #tpu.memory_space<hbm>>
    %dma_start3A_18 = arith.constant 0 : i32
    %dma_start3A_19 = tpu.memref_slice %dma_start3A_17[%add3A_8, %dma_start3A_18] : memref<8192x512xi32, #tpu.memory_space<hbm>> -> memref<4x512xi32, #tpu.memory_space<hbm>>
    tpu.enqueue_dma source(%dma_start3A_19 : memref<4x512xi32, #tpu.memory_space<hbm>>) target(%arg10 : memref<4x512xi32, #tpu.memory_space<vmem>>) target_semaphore(%arg15 : memref<!tpu.dma_semaphore, #tpu.memory_space<semaphore_mem>>)
    %scan3A = arith.constant 0 : i32
    %scan3A_20 = arith.constant 32 : i32
    %scan3A_21 = arith.addi %scan3A, %scan3A_20 : i32
    %scan3A_22 = arith.constant 1 : i32
    %scan3A_23:4 = scf.for %scan3A_51 = %scan3A to %scan3A_21 step %scan3A_22 iter_args(%scan3A_52 = %broadcast_in_dim3A_3, %scan3A_53 = %broadcast_in_dim3A_3, %scan3A_54 = %broadcast_in_dim3A_3, %scan3A_55 = %broadcast_in_dim3A_3) -> (vector<16xf32>, vector<16xf32>, vector<16xf32>, vector<16xf32>)  : i32 {
      %mul3A_56 = arith.constant 2 : i32
      %mul3A_57 = arith.muli %mul3A_56, %scan3A_51 : i32
      %add3A_58 = arith.constant 1 : i32
      %add3A_59 = arith.addi %mul3A_57, %add3A_58 : i32
      %min3A_60 = arith.constant 63 : i32
      %min3A_61 = arith.minsi %add3A_59, %min3A_60 : i32
      %mul3A_62 = arith.constant 4 : i32
      %mul3A_63 = arith.muli %min3A_61, %mul3A_62 : i32
      %add3A_64 = arith.addi %mul3A_2, %mul3A_63 : i32
      %dma_start3A_65 = tpu.memref_reshape %arg2 : memref<16x1x512x512xf32, #tpu.memory_space<hbm>> -> memref<8192x512xf32, #tpu.memory_space<hbm>>
      %dma_start3A_66 = arith.constant 0 : i32
      %dma_start3A_67 = tpu.memref_slice %dma_start3A_65[%add3A_64, %dma_start3A_66] : memref<8192x512xf32, #tpu.memory_space<hbm>> -> memref<4x512xf32, #tpu.memory_space<hbm>>
      %dma_start3A_68 = tpu.memref_reshape %arg2 : memref<16x1x512x512xf32, #tpu.memory_space<hbm>> -> memref<8192x512xf32, #tpu.memory_space<hbm>>
      %dma_start3A_69 = arith.constant 0 : i32
      %dma_start3A_70 = tpu.memref_slice %dma_start3A_68[%add3A_64, %dma_start3A_69] : memref<8192x512xf32, #tpu.memory_space<hbm>> -> memref<4x512xf32, #tpu.memory_space<hbm>>
      tpu.enqueue_dma source(%dma_start3A_70 : memref<4x512xf32, #tpu.memory_space<hbm>>) target(%arg9 : memref<4x512xf32, #tpu.memory_space<vmem>>) target_semaphore(%arg14 : memref<!tpu.dma_semaphore, #tpu.memory_space<semaphore_mem>>)
      %dma_start3A_71 = tpu.memref_reshape %arg3 : memref<16x512x512xi32, #tpu.memory_space<hbm>> -> memref<8192x512xi32, #tpu.memory_space<hbm>>
      %dma_start3A_72 = arith.constant 0 : i32
      %dma_start3A_73 = tpu.memref_slice %dma_start3A_71[%add3A_64, %dma_start3A_72] : memref<8192x512xi32, #tpu.memory_space<hbm>> -> memref<4x512xi32, #tpu.memory_space<hbm>>
      %dma_start3A_74 = tpu.memref_reshape %arg3 : memref<16x512x512xi32, #tpu.memory_space<hbm>> -> memref<8192x512xi32, #tpu.memory_space<hbm>>
      %dma_start3A_75 = arith.constant 0 : i32
      %dma_start3A_76 = tpu.memref_slice %dma_start3A_74[%add3A_64, %dma_start3A_75] : memref<8192x512xi32, #tpu.memory_space<hbm>> -> memref<4x512xi32, #tpu.memory_space<hbm>>
      tpu.enqueue_dma source(%dma_start3A_76 : memref<4x512xi32, #tpu.memory_space<hbm>>) target(%arg11 : memref<4x512xi32, #tpu.memory_space<vmem>>) target_semaphore(%arg16 : memref<!tpu.dma_semaphore, #tpu.memory_space<semaphore_mem>>)
      %dma_wait3A_77 = tpu.memref_reshape %arg2 : memref<16x1x512x512xf32, #tpu.memory_space<hbm>> -> memref<8192x512xf32, #tpu.memory_space<hbm>>
      %dma_wait3A_78 = arith.constant 0 : i32
      %dma_wait3A_79 = arith.constant 0 : i32
      %dma_wait3A_80 = tpu.memref_slice %dma_wait3A_77[%dma_wait3A_78, %dma_wait3A_79] : memref<8192x512xf32, #tpu.memory_space<hbm>> -> memref<4x512xf32, #tpu.memory_space<hbm>>
      %dma_wait3A_81 = tpu.memref_reshape %arg2 : memref<16x1x512x512xf32, #tpu.memory_space<hbm>> -> memref<8192x512xf32, #tpu.memory_space<hbm>>
      %dma_wait3A_82 = arith.constant 0 : i32
      %dma_wait3A_83 = arith.constant 0 : i32
      %dma_wait3A_84 = tpu.memref_slice %dma_wait3A_81[%dma_wait3A_82, %dma_wait3A_83] : memref<8192x512xf32, #tpu.memory_space<hbm>> -> memref<4x512xf32, #tpu.memory_space<hbm>>
      tpu.wait_dma2 semaphore(%arg13 : memref<!tpu.dma_semaphore, #tpu.memory_space<semaphore_mem>>) src(%dma_wait3A_84 : memref<4x512xf32, #tpu.memory_space<hbm>>) dst(%arg8 : memref<4x512xf32, #tpu.memory_space<vmem>>)
      %dma_wait3A_85 = tpu.memref_reshape %arg3 : memref<16x512x512xi32, #tpu.memory_space<hbm>> -> memref<8192x512xi32, #tpu.memory_space<hbm>>
      %dma_wait3A_86 = arith.constant 0 : i32
      %dma_wait3A_87 = arith.constant 0 : i32
      %dma_wait3A_88 = tpu.memref_slice %dma_wait3A_85[%dma_wait3A_86, %dma_wait3A_87] : memref<8192x512xi32, #tpu.memory_space<hbm>> -> memref<4x512xi32, #tpu.memory_space<hbm>>
      %dma_wait3A_89 = tpu.memref_reshape %arg3 : memref<16x512x512xi32, #tpu.memory_space<hbm>> -> memref<8192x512xi32, #tpu.memory_space<hbm>>
      %dma_wait3A_90 = arith.constant 0 : i32
      %dma_wait3A_91 = arith.constant 0 : i32
      %dma_wait3A_92 = tpu.memref_slice %dma_wait3A_89[%dma_wait3A_90, %dma_wait3A_91] : memref<8192x512xi32, #tpu.memory_space<hbm>> -> memref<4x512xi32, #tpu.memory_space<hbm>>
      tpu.wait_dma2 semaphore(%arg15 : memref<!tpu.dma_semaphore, #tpu.memory_space<semaphore_mem>>) src(%dma_wait3A_92 : memref<4x512xi32, #tpu.memory_space<hbm>>) dst(%arg10 : memref<4x512xi32, #tpu.memory_space<vmem>>)
      %parallel_loop3A = arith.constant 0 : i32
      %parallel_loop3A_93 = arith.constant 512 : i32
      %parallel_loop3A_94 = arith.constant 32 : i32
      %parallel_loop3A_95:4 = scf.for %parallel_loop3A_159 = %parallel_loop3A to %parallel_loop3A_93 step %parallel_loop3A_94 iter_args(%parallel_loop3A_160 = %scan3A_52, %parallel_loop3A_161 = %scan3A_53, %parallel_loop3A_162 = %scan3A_54, %parallel_loop3A_163 = %scan3A_55) -> (vector<16xf32>, vector<16xf32>, vector<16xf32>, vector<16xf32>)  : i32 {
        %parallel_loop3A_164 = arith.constant 0 : i32
        %parallel_loop3A_165 = arith.addi %parallel_loop3A_159, %parallel_loop3A_164 : i32
        %parallel_loop3A_166 = arith.constant 0 : i32
        %parallel_loop3A_167 = arith.index_cast %parallel_loop3A_166 : i32 to index
        %parallel_loop3A_168 = arith.index_cast %parallel_loop3A_165 : i32 to index
        %parallel_loop3A_169 = tpu.vector_load %arg10[%parallel_loop3A_167, %parallel_loop3A_168] {strides = array<i32>} : memref<4x512xi32, #tpu.memory_space<vmem>>, vector<16xi32>,
        %parallel_loop3A_170 = arith.constant 0 : i32
        %parallel_loop3A_171 = arith.addi %parallel_loop3A_159, %parallel_loop3A_170 : i32
        %parallel_loop3A_172 = arith.constant 0 : i32
        %parallel_loop3A_173 = arith.index_cast %parallel_loop3A_172 : i32 to index
        %parallel_loop3A_174 = arith.index_cast %parallel_loop3A_171 : i32 to index
        %parallel_loop3A_175 = tpu.vector_load %arg8[%parallel_loop3A_173, %parallel_loop3A_174] {strides = array<i32>} : memref<4x512xf32, #tpu.memory_space<vmem>>, vector<16xf32>,
        %parallel_loop3A_176 = tpu.vector_load_idx %arg6[%parallel_loop3A_169] : memref<32xf32, #tpu.memory_space<vmem>>[vector<16xi32>], vector<16xf32>,
        %parallel_loop3A_177 = tpu.vector_load_idx %arg7[%parallel_loop3A_169] : memref<32xf32, #tpu.memory_space<vmem>>[vector<16xi32>], vector<16xf32>,
        %parallel_loop3A_178 = arith.subf %parallel_loop3A_176, %parallel_loop3A_175 : vector<16xf32>
        %parallel_loop3A_179 = arith.subf %parallel_loop3A_175, %parallel_loop3A_177 : vector<16xf32>
        %parallel_loop3A_180 = arith.maximumf %parallel_loop3A_178, %parallel_loop3A_179 : vector<16xf32>
        %parallel_loop3A_181 = arith.constant 0.000000e+00 : f32
        %parallel_loop3A_182 = vector.broadcast %parallel_loop3A_181 : f32 to vector<16xf32>
        %parallel_loop3A_183 = arith.maximumf %parallel_loop3A_180, %parallel_loop3A_182 : vector<16xf32>
        %parallel_loop3A_184 = arith.constant 2.000000e+00 : f32
        %parallel_loop3A_185 = vector.broadcast %parallel_loop3A_184 : f32 to vector<16xf32>
        %parallel_loop3A_186 = arith.cmpf olt, %parallel_loop3A_177, %parallel_loop3A_185 : vector<16xf32>
        %parallel_loop3A_187 = arith.constant 1.000000e+00 : f32
        %parallel_loop3A_188 = arith.constant 0.000000e+00 : f32
        %parallel_loop3A_189 = vector.broadcast %parallel_loop3A_187 : f32 to vector<16xf32>
        %parallel_loop3A_190 = vector.broadcast %parallel_loop3A_188 : f32 to vector<16xf32>
        %parallel_loop3A_191 = arith.select %parallel_loop3A_186, %parallel_loop3A_189, %parallel_loop3A_190 : vector<16xi1>, vector<16xf32>
        %parallel_loop3A_192 = arith.addf %parallel_loop3A_160, %parallel_loop3A_183 : vector<16xf32>
        %parallel_loop3A_193 = arith.addf %parallel_loop3A_161, %parallel_loop3A_191 : vector<16xf32>
        %parallel_loop3A_194 = arith.constant 16 : i32
        %parallel_loop3A_195 = arith.addi %parallel_loop3A_159, %parallel_loop3A_194 : i32
        %parallel_loop3A_196 = arith.constant 0 : i32
        %parallel_loop3A_197 = arith.index_cast %parallel_loop3A_196 : i32 to index
        %parallel_loop3A_198 = arith.index_cast %parallel_loop3A_195 : i32 to index
        %parallel_loop3A_199 = tpu.vector_load %arg10[%parallel_loop3A_197, %parallel_loop3A_198] {strides = array<i32>} : memref<4x512xi32, #tpu.memory_space<vmem>>, vector<16xi32>,
        %parallel_loop3A_200 = arith.constant 16 : i32
        %parallel_loop3A_201 = arith.addi %parallel_loop3A_159, %parallel_loop3A_200 : i32
        %parallel_loop3A_202 = arith.constant 0 : i32
        %parallel_loop3A_203 = arith.index_cast %parallel_loop3A_202 : i32 to index
        %parallel_loop3A_204 = arith.index_cast %parallel_loop3A_201 : i32 to index
        %parallel_loop3A_205 = tpu.vector_load %arg8[%parallel_loop3A_203, %parallel_loop3A_204] {strides = array<i32>} : memref<4x512xf32, #tpu.memory_space<vmem>>, vector<16xf32>,
        %parallel_loop3A_206 = tpu.vector_load_idx %arg6[%parallel_loop3A_199] : memref<32xf32, #tpu.memory_space<vmem>>[vector<16xi32>], vector<16xf32>,
        %parallel_loop3A_207 = tpu.vector_load_idx %arg7[%parallel_loop3A_199] : memref<32xf32, #tpu.memory_space<vmem>>[vector<16xi32>], vector<16xf32>,
        %parallel_loop3A_208 = arith.subf %parallel_loop3A_206, %parallel_loop3A_205 : vector<16xf32>
        %parallel_loop3A_209 = arith.subf %parallel_loop3A_205, %parallel_loop3A_207 : vector<16xf32>
        %parallel_loop3A_210 = arith.maximumf %parallel_loop3A_208, %parallel_loop3A_209 : vector<16xf32>
        %parallel_loop3A_211 = arith.constant 0.000000e+00 : f32
        %parallel_loop3A_212 = vector.broadcast %parallel_loop3A_211 : f32 to vector<16xf32>
        %parallel_loop3A_213 = arith.maximumf %parallel_loop3A_210, %parallel_loop3A_212 : vector<16xf32>
        %parallel_loop3A_214 = arith.constant 2.000000e+00 : f32
        %parallel_loop3A_215 = vector.broadcast %parallel_loop3A_214 : f32 to vector<16xf32>
        %parallel_loop3A_216 = arith.cmpf olt, %parallel_loop3A_207, %parallel_loop3A_215 : vector<16xf32>
        %parallel_loop3A_217 = arith.constant 1.000000e+00 : f32
        %parallel_loop3A_218 = arith.constant 0.000000e+00 : f32
        %parallel_loop3A_219 = vector.broadcast %parallel_loop3A_217 : f32 to vector<16xf32>
        %parallel_loop3A_220 = vector.broadcast %parallel_loop3A_218 : f32 to vector<16xf32>
        %parallel_loop3A_221 = arith.select %parallel_loop3A_216, %parallel_loop3A_219, %parallel_loop3A_220 : vector<16xi1>, vector<16xf32>
        %parallel_loop3A_222 = arith.addf %parallel_loop3A_162, %parallel_loop3A_213 : vector<16xf32>
        %parallel_loop3A_223 = arith.addf %parallel_loop3A_163, %parallel_loop3A_221 : vector<16xf32>
        scf.yield %parallel_loop3A_192, %parallel_loop3A_193, %parallel_loop3A_222, %parallel_loop3A_223 : vector<16xf32>, vector<16xf32>, vector<16xf32>, vector<16xf32>
      } {sc.loop_unroll_factor = 4 : i64, sc.parallel_access}
      %parallel_loop3A_96 = arith.constant 0 : i32
      %parallel_loop3A_97 = arith.constant 512 : i32
      %parallel_loop3A_98 = arith.constant 32 : i32
      %parallel_loop3A_99:4 = scf.for %parallel_loop3A_159 = %parallel_loop3A_96 to %parallel_loop3A_97 step %parallel_loop3A_98 iter_args(%parallel_loop3A_160 = %parallel_loop3A_95#0, %parallel_loop3A_161 = %parallel_loop3A_95#1, %parallel_loop3A_162 = %parallel_loop3A_95#2, %parallel_loop3A_163 = %parallel_loop3A_95#3) -> (vector<16xf32>, vector<16xf32>, vector<16xf32>, vector<16xf32>)  : i32 {
        %parallel_loop3A_164 = arith.constant 0 : i32
        %parallel_loop3A_165 = arith.addi %parallel_loop3A_159, %parallel_loop3A_164 : i32
        %parallel_loop3A_166 = arith.constant 1 : i32
        %parallel_loop3A_167 = arith.index_cast %parallel_loop3A_166 : i32 to index
        %parallel_loop3A_168 = arith.index_cast %parallel_loop3A_165 : i32 to index
        %parallel_loop3A_169 = tpu.vector_load %arg10[%parallel_loop3A_167, %parallel_loop3A_168] {strides = array<i32>} : memref<4x512xi32, #tpu.memory_space<vmem>>, vector<16xi32>,
        %parallel_loop3A_170 = arith.constant 0 : i32
        %parallel_loop3A_171 = arith.addi %parallel_loop3A_159, %parallel_loop3A_170 : i32
        %parallel_loop3A_172 = arith.constant 1 : i32
        %parallel_loop3A_173 = arith.index_cast %parallel_loop3A_172 : i32 to index
        %parallel_loop3A_174 = arith.index_cast %parallel_loop3A_171 : i32 to index
        %parallel_loop3A_175 = tpu.vector_load %arg8[%parallel_loop3A_173, %parallel_loop3A_174] {strides = array<i32>} : memref<4x512xf32, #tpu.memory_space<vmem>>, vector<16xf32>,
        %parallel_loop3A_176 = tpu.vector_load_idx %arg6[%parallel_loop3A_169] : memref<32xf32, #tpu.memory_space<vmem>>[vector<16xi32>], vector<16xf32>,
        %parallel_loop3A_177 = tpu.vector_load_idx %arg7[%parallel_loop3A_169] : memref<32xf32, #tpu.memory_space<vmem>>[vector<16xi32>], vector<16xf32>,
        %parallel_loop3A_178 = arith.subf %parallel_loop3A_176, %parallel_loop3A_175 : vector<16xf32>
        %parallel_loop3A_179 = arith.subf %parallel_loop3A_175, %parallel_loop3A_177 : vector<16xf32>
        %parallel_loop3A_180 = arith.maximumf %parallel_loop3A_178, %parallel_loop3A_179 : vector<16xf32>
        %parallel_loop3A_181 = arith.constant 0.000000e+00 : f32
        %parallel_loop3A_182 = vector.broadcast %parallel_loop3A_181 : f32 to vector<16xf32>
        %parallel_loop3A_183 = arith.maximumf %parallel_loop3A_180, %parallel_loop3A_182 : vector<16xf32>
        %parallel_loop3A_184 = arith.constant 2.000000e+00 : f32
        %parallel_loop3A_185 = vector.broadcast %parallel_loop3A_184 : f32 to vector<16xf32>
        %parallel_loop3A_186 = arith.cmpf olt, %parallel_loop3A_177, %parallel_loop3A_185 : vector<16xf32>
        %parallel_loop3A_187 = arith.constant 1.000000e+00 : f32
        %parallel_loop3A_188 = arith.constant 0.000000e+00 : f32
        %parallel_loop3A_189 = vector.broadcast %parallel_loop3A_187 : f32 to vector<16xf32>
        %parallel_loop3A_190 = vector.broadcast %parallel_loop3A_188 : f32 to vector<16xf32>
        %parallel_loop3A_191 = arith.select %parallel_loop3A_186, %parallel_loop3A_189, %parallel_loop3A_190 : vector<16xi1>, vector<16xf32>
        %parallel_loop3A_192 = arith.addf %parallel_loop3A_160, %parallel_loop3A_183 : vector<16xf32>
        %parallel_loop3A_193 = arith.addf %parallel_loop3A_161, %parallel_loop3A_191 : vector<16xf32>
        %parallel_loop3A_194 = arith.constant 16 : i32
        %parallel_loop3A_195 = arith.addi %parallel_loop3A_159, %parallel_loop3A_194 : i32
        %parallel_loop3A_196 = arith.constant 1 : i32
        %parallel_loop3A_197 = arith.index_cast %parallel_loop3A_196 : i32 to index
        %parallel_loop3A_198 = arith.index_cast %parallel_loop3A_195 : i32 to index
        %parallel_loop3A_199 = tpu.vector_load %arg10[%parallel_loop3A_197, %parallel_loop3A_198] {strides = array<i32>} : memref<4x512xi32, #tpu.memory_space<vmem>>, vector<16xi32>,
        %parallel_loop3A_200 = arith.constant 16 : i32
        %parallel_loop3A_201 = arith.addi %parallel_loop3A_159, %parallel_loop3A_200 : i32
        %parallel_loop3A_202 = arith.constant 1 : i32
        %parallel_loop3A_203 = arith.index_cast %parallel_loop3A_202 : i32 to index
        %parallel_loop3A_204 = arith.index_cast %parallel_loop3A_201 : i32 to index
        %parallel_loop3A_205 = tpu.vector_load %arg8[%parallel_loop3A_203, %parallel_loop3A_204] {strides = array<i32>} : memref<4x512xf32, #tpu.memory_space<vmem>>, vector<16xf32>,
        %parallel_loop3A_206 = tpu.vector_load_idx %arg6[%parallel_loop3A_199] : memref<32xf32, #tpu.memory_space<vmem>>[vector<16xi32>], vector<16xf32>,
        %parallel_loop3A_207 = tpu.vector_load_idx %arg7[%parallel_loop3A_199] : memref<32xf32, #tpu.memory_space<vmem>>[vector<16xi32>], vector<16xf32>,
        %parallel_loop3A_208 = arith.subf %parallel_loop3A_206, %parallel_loop3A_205 : vector<16xf32>
        %parallel_loop3A_209 = arith.subf %parallel_loop3A_205, %parallel_loop3A_207 : vector<16xf32>
        %parallel_loop3A_210 = arith.maximumf %parallel_loop3A_208, %parallel_loop3A_209 : vector<16xf32>
        %parallel_loop3A_211 = arith.constant 0.000000e+00 : f32
        %parallel_loop3A_212 = vector.broadcast %parallel_loop3A_211 : f32 to vector<16xf32>
        %parallel_loop3A_213 = arith.maximumf %parallel_loop3A_210, %parallel_loop3A_212 : vector<16xf32>
        %parallel_loop3A_214 = arith.constant 2.000000e+00 : f32
        %parallel_loop3A_215 = vector.broadcast %parallel_loop3A_214 : f32 to vector<16xf32>
        %parallel_loop3A_216 = arith.cmpf olt, %parallel_loop3A_207, %parallel_loop3A_215 : vector<16xf32>
        %parallel_loop3A_217 = arith.constant 1.000000e+00 : f32
        %parallel_loop3A_218 = arith.constant 0.000000e+00 : f32
        %parallel_loop3A_219 = vector.broadcast %parallel_loop3A_217 : f32 to vector<16xf32>
        %parallel_loop3A_220 = vector.broadcast %parallel_loop3A_218 : f32 to vector<16xf32>
        %parallel_loop3A_221 = arith.select %parallel_loop3A_216, %parallel_loop3A_219, %parallel_loop3A_220 : vector<16xi1>, vector<16xf32>
        %parallel_loop3A_222 = arith.addf %parallel_loop3A_162, %parallel_loop3A_213 : vector<16xf32>
        %parallel_loop3A_223 = arith.addf %parallel_loop3A_163, %parallel_loop3A_221 : vector<16xf32>
        scf.yield %parallel_loop3A_192, %parallel_loop3A_193, %parallel_loop3A_222, %parallel_loop3A_223 : vector<16xf32>, vector<16xf32>, vector<16xf32>, vector<16xf32>
      } {sc.loop_unroll_factor = 4 : i64, sc.parallel_access}
      %parallel_loop3A_100 = arith.constant 0 : i32
      %parallel_loop3A_101 = arith.constant 512 : i32
      %parallel_loop3A_102 = arith.constant 32 : i32
      %parallel_loop3A_103:4 = scf.for %parallel_loop3A_159 = %parallel_loop3A_100 to %parallel_loop3A_101 step %parallel_loop3A_102 iter_args(%parallel_loop3A_160 = %parallel_loop3A_99#0, %parallel_loop3A_161 = %parallel_loop3A_99#1, %parallel_loop3A_162 = %parallel_loop3A_99#2, %parallel_loop3A_163 = %parallel_loop3A_99#3) -> (vector<16xf32>, vector<16xf32>, vector<16xf32>, vector<16xf32>)  : i32 {
        %parallel_loop3A_164 = arith.constant 0 : i32
        %parallel_loop3A_165 = arith.addi %parallel_loop3A_159, %parallel_loop3A_164 : i32
        %parallel_loop3A_166 = arith.constant 2 : i32
        %parallel_loop3A_167 = arith.index_cast %parallel_loop3A_166 : i32 to index
        %parallel_loop3A_168 = arith.index_cast %parallel_loop3A_165 : i32 to index
        %parallel_loop3A_169 = tpu.vector_load %arg10[%parallel_loop3A_167, %parallel_loop3A_168] {strides = array<i32>} : memref<4x512xi32, #tpu.memory_space<vmem>>, vector<16xi32>,
        %parallel_loop3A_170 = arith.constant 0 : i32
        %parallel_loop3A_171 = arith.addi %parallel_loop3A_159, %parallel_loop3A_170 : i32
        %parallel_loop3A_172 = arith.constant 2 : i32
        %parallel_loop3A_173 = arith.index_cast %parallel_loop3A_172 : i32 to index
        %parallel_loop3A_174 = arith.index_cast %parallel_loop3A_171 : i32 to index
        %parallel_loop3A_175 = tpu.vector_load %arg8[%parallel_loop3A_173, %parallel_loop3A_174] {strides = array<i32>} : memref<4x512xf32, #tpu.memory_space<vmem>>, vector<16xf32>,
        %parallel_loop3A_176 = tpu.vector_load_idx %arg6[%parallel_loop3A_169] : memref<32xf32, #tpu.memory_space<vmem>>[vector<16xi32>], vector<16xf32>,
        %parallel_loop3A_177 = tpu.vector_load_idx %arg7[%parallel_loop3A_169] : memref<32xf32, #tpu.memory_space<vmem>>[vector<16xi32>], vector<16xf32>,
        %parallel_loop3A_178 = arith.subf %parallel_loop3A_176, %parallel_loop3A_175 : vector<16xf32>
        %parallel_loop3A_179 = arith.subf %parallel_loop3A_175, %parallel_loop3A_177 : vector<16xf32>
        %parallel_loop3A_180 = arith.maximumf %parallel_loop3A_178, %parallel_loop3A_179 : vector<16xf32>
        %parallel_loop3A_181 = arith.constant 0.000000e+00 : f32
        %parallel_loop3A_182 = vector.broadcast %parallel_loop3A_181 : f32 to vector<16xf32>
        %parallel_loop3A_183 = arith.maximumf %parallel_loop3A_180, %parallel_loop3A_182 : vector<16xf32>
        %parallel_loop3A_184 = arith.constant 2.000000e+00 : f32
        %parallel_loop3A_185 = vector.broadcast %parallel_loop3A_184 : f32 to vector<16xf32>
        %parallel_loop3A_186 = arith.cmpf olt, %parallel_loop3A_177, %parallel_loop3A_185 : vector<16xf32>
        %parallel_loop3A_187 = arith.constant 1.000000e+00 : f32
        %parallel_loop3A_188 = arith.constant 0.000000e+00 : f32
        %parallel_loop3A_189 = vector.broadcast %parallel_loop3A_187 : f32 to vector<16xf32>
        %parallel_loop3A_190 = vector.broadcast %parallel_loop3A_188 : f32 to vector<16xf32>
        %parallel_loop3A_191 = arith.select %parallel_loop3A_186, %parallel_loop3A_189, %parallel_loop3A_190 : vector<16xi1>, vector<16xf32>
        %parallel_loop3A_192 = arith.addf %parallel_loop3A_160, %parallel_loop3A_183 : vector<16xf32>
        %parallel_loop3A_193 = arith.addf %parallel_loop3A_161, %parallel_loop3A_191 : vector<16xf32>
        %parallel_loop3A_194 = arith.constant 16 : i32
        %parallel_loop3A_195 = arith.addi %parallel_loop3A_159, %parallel_loop3A_194 : i32
        %parallel_loop3A_196 = arith.constant 2 : i32
        %parallel_loop3A_197 = arith.index_cast %parallel_loop3A_196 : i32 to index
        %parallel_loop3A_198 = arith.index_cast %parallel_loop3A_195 : i32 to index
        %parallel_loop3A_199 = tpu.vector_load %arg10[%parallel_loop3A_197, %parallel_loop3A_198] {strides = array<i32>} : memref<4x512xi32, #tpu.memory_space<vmem>>, vector<16xi32>,
        %parallel_loop3A_200 = arith.constant 16 : i32
        %parallel_loop3A_201 = arith.addi %parallel_loop3A_159, %parallel_loop3A_200 : i32
        %parallel_loop3A_202 = arith.constant 2 : i32
        %parallel_loop3A_203 = arith.index_cast %parallel_loop3A_202 : i32 to index
        %parallel_loop3A_204 = arith.index_cast %parallel_loop3A_201 : i32 to index
        %parallel_loop3A_205 = tpu.vector_load %arg8[%parallel_loop3A_203, %parallel_loop3A_204] {strides = array<i32>} : memref<4x512xf32, #tpu.memory_space<vmem>>, vector<16xf32>,
        %parallel_loop3A_206 = tpu.vector_load_idx %arg6[%parallel_loop3A_199] : memref<32xf32, #tpu.memory_space<vmem>>[vector<16xi32>], vector<16xf32>,
        %parallel_loop3A_207 = tpu.vector_load_idx %arg7[%parallel_loop3A_199] : memref<32xf32, #tpu.memory_space<vmem>>[vector<16xi32>], vector<16xf32>,
        %parallel_loop3A_208 = arith.subf %parallel_loop3A_206, %parallel_loop3A_205 : vector<16xf32>
        %parallel_loop3A_209 = arith.subf %parallel_loop3A_205, %parallel_loop3A_207 : vector<16xf32>
        %parallel_loop3A_210 = arith.maximumf %parallel_loop3A_208, %parallel_loop3A_209 : vector<16xf32>
        %parallel_loop3A_211 = arith.constant 0.000000e+00 : f32
        %parallel_loop3A_212 = vector.broadcast %parallel_loop3A_211 : f32 to vector<16xf32>
        %parallel_loop3A_213 = arith.maximumf %parallel_loop3A_210, %parallel_loop3A_212 : vector<16xf32>
        %parallel_loop3A_214 = arith.constant 2.000000e+00 : f32
        %parallel_loop3A_215 = vector.broadcast %parallel_loop3A_214 : f32 to vector<16xf32>
        %parallel_loop3A_216 = arith.cmpf olt, %parallel_loop3A_207, %parallel_loop3A_215 : vector<16xf32>
        %parallel_loop3A_217 = arith.constant 1.000000e+00 : f32
        %parallel_loop3A_218 = arith.constant 0.000000e+00 : f32
        %parallel_loop3A_219 = vector.broadcast %parallel_loop3A_217 : f32 to vector<16xf32>
        %parallel_loop3A_220 = vector.broadcast %parallel_loop3A_218 : f32 to vector<16xf32>
        %parallel_loop3A_221 = arith.select %parallel_loop3A_216, %parallel_loop3A_219, %parallel_loop3A_220 : vector<16xi1>, vector<16xf32>
        %parallel_loop3A_222 = arith.addf %parallel_loop3A_162, %parallel_loop3A_213 : vector<16xf32>
        %parallel_loop3A_223 = arith.addf %parallel_loop3A_163, %parallel_loop3A_221 : vector<16xf32>
        scf.yield %parallel_loop3A_192, %parallel_loop3A_193, %parallel_loop3A_222, %parallel_loop3A_223 : vector<16xf32>, vector<16xf32>, vector<16xf32>, vector<16xf32>
      } {sc.loop_unroll_factor = 4 : i64, sc.parallel_access}
      %parallel_loop3A_104 = arith.constant 0 : i32
      %parallel_loop3A_105 = arith.constant 512 : i32
      %parallel_loop3A_106 = arith.constant 32 : i32
      %parallel_loop3A_107:4 = scf.for %parallel_loop3A_159 = %parallel_loop3A_104 to %parallel_loop3A_105 step %parallel_loop3A_106 iter_args(%parallel_loop3A_160 = %parallel_loop3A_103#0, %parallel_loop3A_161 = %parallel_loop3A_103#1, %parallel_loop3A_162 = %parallel_loop3A_103#2, %parallel_loop3A_163 = %parallel_loop3A_103#3) -> (vector<16xf32>, vector<16xf32>, vector<16xf32>, vector<16xf32>)  : i32 {
        %parallel_loop3A_164 = arith.constant 0 : i32
        %parallel_loop3A_165 = arith.addi %parallel_loop3A_159, %parallel_loop3A_164 : i32
        %parallel_loop3A_166 = arith.constant 3 : i32
        %parallel_loop3A_167 = arith.index_cast %parallel_loop3A_166 : i32 to index
        %parallel_loop3A_168 = arith.index_cast %parallel_loop3A_165 : i32 to index
        %parallel_loop3A_169 = tpu.vector_load %arg10[%parallel_loop3A_167, %parallel_loop3A_168] {strides = array<i32>} : memref<4x512xi32, #tpu.memory_space<vmem>>, vector<16xi32>,
        %parallel_loop3A_170 = arith.constant 0 : i32
        %parallel_loop3A_171 = arith.addi %parallel_loop3A_159, %parallel_loop3A_170 : i32
        %parallel_loop3A_172 = arith.constant 3 : i32
        %parallel_loop3A_173 = arith.index_cast %parallel_loop3A_172 : i32 to index
        %parallel_loop3A_174 = arith.index_cast %parallel_loop3A_171 : i32 to index
        %parallel_loop3A_175 = tpu.vector_load %arg8[%parallel_loop3A_173, %parallel_loop3A_174] {strides = array<i32>} : memref<4x512xf32, #tpu.memory_space<vmem>>, vector<16xf32>,
        %parallel_loop3A_176 = tpu.vector_load_idx %arg6[%parallel_loop3A_169] : memref<32xf32, #tpu.memory_space<vmem>>[vector<16xi32>], vector<16xf32>,
        %parallel_loop3A_177 = tpu.vector_load_idx %arg7[%parallel_loop3A_169] : memref<32xf32, #tpu.memory_space<vmem>>[vector<16xi32>], vector<16xf32>,
        %parallel_loop3A_178 = arith.subf %parallel_loop3A_176, %parallel_loop3A_175 : vector<16xf32>
        %parallel_loop3A_179 = arith.subf %parallel_loop3A_175, %parallel_loop3A_177 : vector<16xf32>
        %parallel_loop3A_180 = arith.maximumf %parallel_loop3A_178, %parallel_loop3A_179 : vector<16xf32>
        %parallel_loop3A_181 = arith.constant 0.000000e+00 : f32
        %parallel_loop3A_182 = vector.broadcast %parallel_loop3A_181 : f32 to vector<16xf32>
        %parallel_loop3A_183 = arith.maximumf %parallel_loop3A_180, %parallel_loop3A_182 : vector<16xf32>
        %parallel_loop3A_184 = arith.constant 2.000000e+00 : f32
        %parallel_loop3A_185 = vector.broadcast %parallel_loop3A_184 : f32 to vector<16xf32>
        %parallel_loop3A_186 = arith.cmpf olt, %parallel_loop3A_177, %parallel_loop3A_185 : vector<16xf32>
        %parallel_loop3A_187 = arith.constant 1.000000e+00 : f32
        %parallel_loop3A_188 = arith.constant 0.000000e+00 : f32
        %parallel_loop3A_189 = vector.broadcast %parallel_loop3A_187 : f32 to vector<16xf32>
        %parallel_loop3A_190 = vector.broadcast %parallel_loop3A_188 : f32 to vector<16xf32>
        %parallel_loop3A_191 = arith.select %parallel_loop3A_186, %parallel_loop3A_189, %parallel_loop3A_190 : vector<16xi1>, vector<16xf32>
        %parallel_loop3A_192 = arith.addf %parallel_loop3A_160, %parallel_loop3A_183 : vector<16xf32>
        %parallel_loop3A_193 = arith.addf %parallel_loop3A_161, %parallel_loop3A_191 : vector<16xf32>
        %parallel_loop3A_194 = arith.constant 16 : i32
        %parallel_loop3A_195 = arith.addi %parallel_loop3A_159, %parallel_loop3A_194 : i32
        %parallel_loop3A_196 = arith.constant 3 : i32
        %parallel_loop3A_197 = arith.index_cast %parallel_loop3A_196 : i32 to index
        %parallel_loop3A_198 = arith.index_cast %parallel_loop3A_195 : i32 to index
        %parallel_loop3A_199 = tpu.vector_load %arg10[%parallel_loop3A_197, %parallel_loop3A_198] {strides = array<i32>} : memref<4x512xi32, #tpu.memory_space<vmem>>, vector<16xi32>,
        %parallel_loop3A_200 = arith.constant 16 : i32
        %parallel_loop3A_201 = arith.addi %parallel_loop3A_159, %parallel_loop3A_200 : i32
        %parallel_loop3A_202 = arith.constant 3 : i32
        %parallel_loop3A_203 = arith.index_cast %parallel_loop3A_202 : i32 to index
        %parallel_loop3A_204 = arith.index_cast %parallel_loop3A_201 : i32 to index
        %parallel_loop3A_205 = tpu.vector_load %arg8[%parallel_loop3A_203, %parallel_loop3A_204] {strides = array<i32>} : memref<4x512xf32, #tpu.memory_space<vmem>>, vector<16xf32>,
        %parallel_loop3A_206 = tpu.vector_load_idx %arg6[%parallel_loop3A_199] : memref<32xf32, #tpu.memory_space<vmem>>[vector<16xi32>], vector<16xf32>,
        %parallel_loop3A_207 = tpu.vector_load_idx %arg7[%parallel_loop3A_199] : memref<32xf32, #tpu.memory_space<vmem>>[vector<16xi32>], vector<16xf32>,
        %parallel_loop3A_208 = arith.subf %parallel_loop3A_206, %parallel_loop3A_205 : vector<16xf32>
        %parallel_loop3A_209 = arith.subf %parallel_loop3A_205, %parallel_loop3A_207 : vector<16xf32>
        %parallel_loop3A_210 = arith.maximumf %parallel_loop3A_208, %parallel_loop3A_209 : vector<16xf32>
        %parallel_loop3A_211 = arith.constant 0.000000e+00 : f32
        %parallel_loop3A_212 = vector.broadcast %parallel_loop3A_211 : f32 to vector<16xf32>
        %parallel_loop3A_213 = arith.maximumf %parallel_loop3A_210, %parallel_loop3A_212 : vector<16xf32>
        %parallel_loop3A_214 = arith.constant 2.000000e+00 : f32
        %parallel_loop3A_215 = vector.broadcast %parallel_loop3A_214 : f32 to vector<16xf32>
        %parallel_loop3A_216 = arith.cmpf olt, %parallel_loop3A_207, %parallel_loop3A_215 : vector<16xf32>
        %parallel_loop3A_217 = arith.constant 1.000000e+00 : f32
        %parallel_loop3A_218 = arith.constant 0.000000e+00 : f32
        %parallel_loop3A_219 = vector.broadcast %parallel_loop3A_217 : f32 to vector<16xf32>
        %parallel_loop3A_220 = vector.broadcast %parallel_loop3A_218 : f32 to vector<16xf32>
        %parallel_loop3A_221 = arith.select %parallel_loop3A_216, %parallel_loop3A_219, %parallel_loop3A_220 : vector<16xi1>, vector<16xf32>
        %parallel_loop3A_222 = arith.addf %parallel_loop3A_162, %parallel_loop3A_213 : vector<16xf32>
        %parallel_loop3A_223 = arith.addf %parallel_loop3A_163, %parallel_loop3A_221 : vector<16xf32>
        scf.yield %parallel_loop3A_192, %parallel_loop3A_193, %parallel_loop3A_222, %parallel_loop3A_223 : vector<16xf32>, vector<16xf32>, vector<16xf32>, vector<16xf32>
      } {sc.loop_unroll_factor = 4 : i64, sc.parallel_access}
      %add3A_108 = arith.constant 2 : i32
      %add3A_109 = arith.addi %mul3A_57, %add3A_108 : i32
      %min3A_110 = arith.constant 63 : i32
      %min3A_111 = arith.minsi %add3A_109, %min3A_110 : i32
      %mul3A_112 = arith.constant 4 : i32
      %mul3A_113 = arith.muli %min3A_111, %mul3A_112 : i32
      %add3A_114 = arith.addi %mul3A_2, %mul3A_113 : i32
      %dma_start3A_115 = tpu.memref_reshape %arg2 : memref<16x1x512x512xf32, #tpu.memory_space<hbm>> -> memref<8192x512xf32, #tpu.memory_space<hbm>>
      %dma_start3A_116 = arith.constant 0 : i32
      %dma_start3A_117 = tpu.memref_slice %dma_start3A_115[%add3A_114, %dma_start3A_116] : memref<8192x512xf32, #tpu.memory_space<hbm>> -> memref<4x512xf32, #tpu.memory_space<hbm>>
      %dma_start3A_118 = tpu.memref_reshape %arg2 : memref<16x1x512x512xf32, #tpu.memory_space<hbm>> -> memref<8192x512xf32, #tpu.memory_space<hbm>>
      %dma_start3A_119 = arith.constant 0 : i32
      %dma_start3A_120 = tpu.memref_slice %dma_start3A_118[%add3A_114, %dma_start3A_119] : memref<8192x512xf32, #tpu.memory_space<hbm>> -> memref<4x512xf32, #tpu.memory_space<hbm>>
      tpu.enqueue_dma source(%dma_start3A_120 : memref<4x512xf32, #tpu.memory_space<hbm>>) target(%arg8 : memref<4x512xf32, #tpu.memory_space<vmem>>) target_semaphore(%arg13 : memref<!tpu.dma_semaphore, #tpu.memory_space<semaphore_mem>>)
      %dma_start3A_121 = tpu.memref_reshape %arg3 : memref<16x512x512xi32, #tpu.memory_space<hbm>> -> memref<8192x512xi32, #tpu.memory_space<hbm>>
      %dma_start3A_122 = arith.constant 0 : i32
      %dma_start3A_123 = tpu.memref_slice %dma_start3A_121[%add3A_114, %dma_start3A_122] : memref<8192x512xi32, #tpu.memory_space<hbm>> -> memref<4x512xi32, #tpu.memory_space<hbm>>
      %dma_start3A_124 = tpu.memref_reshape %arg3 : memref<16x512x512xi32, #tpu.memory_space<hbm>> -> memref<8192x512xi32, #tpu.memory_space<hbm>>
      %dma_start3A_125 = arith.constant 0 : i32
      %dma_start3A_126 = tpu.memref_slice %dma_start3A_124[%add3A_114, %dma_start3A_125] : memref<8192x512xi32, #tpu.memory_space<hbm>> -> memref<4x512xi32, #tpu.memory_space<hbm>>
      tpu.enqueue_dma source(%dma_start3A_126 : memref<4x512xi32, #tpu.memory_space<hbm>>) target(%arg10 : memref<4x512xi32, #tpu.memory_space<vmem>>) target_semaphore(%arg15 : memref<!tpu.dma_semaphore, #tpu.memory_space<semaphore_mem>>)
      %dma_wait3A_127 = tpu.memref_reshape %arg2 : memref<16x1x512x512xf32, #tpu.memory_space<hbm>> -> memref<8192x512xf32, #tpu.memory_space<hbm>>
      %dma_wait3A_128 = arith.constant 0 : i32
      %dma_wait3A_129 = arith.constant 0 : i32
      %dma_wait3A_130 = tpu.memref_slice %dma_wait3A_127[%dma_wait3A_128, %dma_wait3A_129] : memref<8192x512xf32, #tpu.memory_space<hbm>> -> memref<4x512xf32, #tpu.memory_space<hbm>>
      %dma_wait3A_131 = tpu.memref_reshape %arg2 : memref<16x1x512x512xf32, #tpu.memory_space<hbm>> -> memref<8192x512xf32, #tpu.memory_space<hbm>>
      %dma_wait3A_132 = arith.constant 0 : i32
      %dma_wait3A_133 = arith.constant 0 : i32
      %dma_wait3A_134 = tpu.memref_slice %dma_wait3A_131[%dma_wait3A_132, %dma_wait3A_133] : memref<8192x512xf32, #tpu.memory_space<hbm>> -> memref<4x512xf32, #tpu.memory_space<hbm>>
      tpu.wait_dma2 semaphore(%arg14 : memref<!tpu.dma_semaphore, #tpu.memory_space<semaphore_mem>>) src(%dma_wait3A_134 : memref<4x512xf32, #tpu.memory_space<hbm>>) dst(%arg9 : memref<4x512xf32, #tpu.memory_space<vmem>>)
      %dma_wait3A_135 = tpu.memref_reshape %arg3 : memref<16x512x512xi32, #tpu.memory_space<hbm>> -> memref<8192x512xi32, #tpu.memory_space<hbm>>
      %dma_wait3A_136 = arith.constant 0 : i32
      %dma_wait3A_137 = arith.constant 0 : i32
      %dma_wait3A_138 = tpu.memref_slice %dma_wait3A_135[%dma_wait3A_136, %dma_wait3A_137] : memref<8192x512xi32, #tpu.memory_space<hbm>> -> memref<4x512xi32, #tpu.memory_space<hbm>>
      %dma_wait3A_139 = tpu.memref_reshape %arg3 : memref<16x512x512xi32, #tpu.memory_space<hbm>> -> memref<8192x512xi32, #tpu.memory_space<hbm>>
      %dma_wait3A_140 = arith.constant 0 : i32
      %dma_wait3A_141 = arith.constant 0 : i32
      %dma_wait3A_142 = tpu.memref_slice %dma_wait3A_139[%dma_wait3A_140, %dma_wait3A_141] : memref<8192x512xi32, #tpu.memory_space<hbm>> -> memref<4x512xi32, #tpu.memory_space<hbm>>
      tpu.wait_dma2 semaphore(%arg16 : memref<!tpu.dma_semaphore, #tpu.memory_space<semaphore_mem>>) src(%dma_wait3A_142 : memref<4x512xi32, #tpu.memory_space<hbm>>) dst(%arg11 : memref<4x512xi32, #tpu.memory_space<vmem>>)
      %parallel_loop3A_143 = arith.constant 0 : i32
      %parallel_loop3A_144 = arith.constant 512 : i32
      %parallel_loop3A_145 = arith.constant 32 : i32
      %parallel_loop3A_146:4 = scf.for %parallel_loop3A_159 = %parallel_loop3A_143 to %parallel_loop3A_144 step %parallel_loop3A_145 iter_args(%parallel_loop3A_160 = %parallel_loop3A_107#0, %parallel_loop3A_161 = %parallel_loop3A_107#1, %parallel_loop3A_162 = %parallel_loop3A_107#2, %parallel_loop3A_163 = %parallel_loop3A_107#3) -> (vector<16xf32>, vector<16xf32>, vector<16xf32>, vector<16xf32>)  : i32 {
        %parallel_loop3A_164 = arith.constant 0 : i32
        %parallel_loop3A_165 = arith.addi %parallel_loop3A_159, %parallel_loop3A_164 : i32
        %parallel_loop3A_166 = arith.constant 0 : i32
        %parallel_loop3A_167 = arith.index_cast %parallel_loop3A_166 : i32 to index
        %parallel_loop3A_168 = arith.index_cast %parallel_loop3A_165 : i32 to index
        %parallel_loop3A_169 = tpu.vector_load %arg11[%parallel_loop3A_167, %parallel_loop3A_168] {strides = array<i32>} : memref<4x512xi32, #tpu.memory_space<vmem>>, vector<16xi32>,
        %parallel_loop3A_170 = arith.constant 0 : i32
        %parallel_loop3A_171 = arith.addi %parallel_loop3A_159, %parallel_loop3A_170 : i32
        %parallel_loop3A_172 = arith.constant 0 : i32
        %parallel_loop3A_173 = arith.index_cast %parallel_loop3A_172 : i32 to index
        %parallel_loop3A_174 = arith.index_cast %parallel_loop3A_171 : i32 to index
        %parallel_loop3A_175 = tpu.vector_load %arg9[%parallel_loop3A_173, %parallel_loop3A_174] {strides = array<i32>} : memref<4x512xf32, #tpu.memory_space<vmem>>, vector<16xf32>,
        %parallel_loop3A_176 = tpu.vector_load_idx %arg6[%parallel_loop3A_169] : memref<32xf32, #tpu.memory_space<vmem>>[vector<16xi32>], vector<16xf32>,
        %parallel_loop3A_177 = tpu.vector_load_idx %arg7[%parallel_loop3A_169] : memref<32xf32, #tpu.memory_space<vmem>>[vector<16xi32>], vector<16xf32>,
        %parallel_loop3A_178 = arith.subf %parallel_loop3A_176, %parallel_loop3A_175 : vector<16xf32>
        %parallel_loop3A_179 = arith.subf %parallel_loop3A_175, %parallel_loop3A_177 : vector<16xf32>
        %parallel_loop3A_180 = arith.maximumf %parallel_loop3A_178, %parallel_loop3A_179 : vector<16xf32>
        %parallel_loop3A_181 = arith.constant 0.000000e+00 : f32
        %parallel_loop3A_182 = vector.broadcast %parallel_loop3A_181 : f32 to vector<16xf32>
        %parallel_loop3A_183 = arith.maximumf %parallel_loop3A_180, %parallel_loop3A_182 : vector<16xf32>
        %parallel_loop3A_184 = arith.constant 2.000000e+00 : f32
        %parallel_loop3A_185 = vector.broadcast %parallel_loop3A_184 : f32 to vector<16xf32>
        %parallel_loop3A_186 = arith.cmpf olt, %parallel_loop3A_177, %parallel_loop3A_185 : vector<16xf32>
        %parallel_loop3A_187 = arith.constant 1.000000e+00 : f32
        %parallel_loop3A_188 = arith.constant 0.000000e+00 : f32
        %parallel_loop3A_189 = vector.broadcast %parallel_loop3A_187 : f32 to vector<16xf32>
        %parallel_loop3A_190 = vector.broadcast %parallel_loop3A_188 : f32 to vector<16xf32>
        %parallel_loop3A_191 = arith.select %parallel_loop3A_186, %parallel_loop3A_189, %parallel_loop3A_190 : vector<16xi1>, vector<16xf32>
        %parallel_loop3A_192 = arith.addf %parallel_loop3A_160, %parallel_loop3A_183 : vector<16xf32>
        %parallel_loop3A_193 = arith.addf %parallel_loop3A_161, %parallel_loop3A_191 : vector<16xf32>
        %parallel_loop3A_194 = arith.constant 16 : i32
        %parallel_loop3A_195 = arith.addi %parallel_loop3A_159, %parallel_loop3A_194 : i32
        %parallel_loop3A_196 = arith.constant 0 : i32
        %parallel_loop3A_197 = arith.index_cast %parallel_loop3A_196 : i32 to index
        %parallel_loop3A_198 = arith.index_cast %parallel_loop3A_195 : i32 to index
        %parallel_loop3A_199 = tpu.vector_load %arg11[%parallel_loop3A_197, %parallel_loop3A_198] {strides = array<i32>} : memref<4x512xi32, #tpu.memory_space<vmem>>, vector<16xi32>,
        %parallel_loop3A_200 = arith.constant 16 : i32
        %parallel_loop3A_201 = arith.addi %parallel_loop3A_159, %parallel_loop3A_200 : i32
        %parallel_loop3A_202 = arith.constant 0 : i32
        %parallel_loop3A_203 = arith.index_cast %parallel_loop3A_202 : i32 to index
        %parallel_loop3A_204 = arith.index_cast %parallel_loop3A_201 : i32 to index
        %parallel_loop3A_205 = tpu.vector_load %arg9[%parallel_loop3A_203, %parallel_loop3A_204] {strides = array<i32>} : memref<4x512xf32, #tpu.memory_space<vmem>>, vector<16xf32>,
        %parallel_loop3A_206 = tpu.vector_load_idx %arg6[%parallel_loop3A_199] : memref<32xf32, #tpu.memory_space<vmem>>[vector<16xi32>], vector<16xf32>,
        %parallel_loop3A_207 = tpu.vector_load_idx %arg7[%parallel_loop3A_199] : memref<32xf32, #tpu.memory_space<vmem>>[vector<16xi32>], vector<16xf32>,
        %parallel_loop3A_208 = arith.subf %parallel_loop3A_206, %parallel_loop3A_205 : vector<16xf32>
        %parallel_loop3A_209 = arith.subf %parallel_loop3A_205, %parallel_loop3A_207 : vector<16xf32>
        %parallel_loop3A_210 = arith.maximumf %parallel_loop3A_208, %parallel_loop3A_209 : vector<16xf32>
        %parallel_loop3A_211 = arith.constant 0.000000e+00 : f32
        %parallel_loop3A_212 = vector.broadcast %parallel_loop3A_211 : f32 to vector<16xf32>
        %parallel_loop3A_213 = arith.maximumf %parallel_loop3A_210, %parallel_loop3A_212 : vector<16xf32>
        %parallel_loop3A_214 = arith.constant 2.000000e+00 : f32
        %parallel_loop3A_215 = vector.broadcast %parallel_loop3A_214 : f32 to vector<16xf32>
        %parallel_loop3A_216 = arith.cmpf olt, %parallel_loop3A_207, %parallel_loop3A_215 : vector<16xf32>
        %parallel_loop3A_217 = arith.constant 1.000000e+00 : f32
        %parallel_loop3A_218 = arith.constant 0.000000e+00 : f32
        %parallel_loop3A_219 = vector.broadcast %parallel_loop3A_217 : f32 to vector<16xf32>
        %parallel_loop3A_220 = vector.broadcast %parallel_loop3A_218 : f32 to vector<16xf32>
        %parallel_loop3A_221 = arith.select %parallel_loop3A_216, %parallel_loop3A_219, %parallel_loop3A_220 : vector<16xi1>, vector<16xf32>
        %parallel_loop3A_222 = arith.addf %parallel_loop3A_162, %parallel_loop3A_213 : vector<16xf32>
        %parallel_loop3A_223 = arith.addf %parallel_loop3A_163, %parallel_loop3A_221 : vector<16xf32>
        scf.yield %parallel_loop3A_192, %parallel_loop3A_193, %parallel_loop3A_222, %parallel_loop3A_223 : vector<16xf32>, vector<16xf32>, vector<16xf32>, vector<16xf32>
      } {sc.loop_unroll_factor = 4 : i64, sc.parallel_access}
      %parallel_loop3A_147 = arith.constant 0 : i32
      %parallel_loop3A_148 = arith.constant 512 : i32
      %parallel_loop3A_149 = arith.constant 32 : i32
      %parallel_loop3A_150:4 = scf.for %parallel_loop3A_159 = %parallel_loop3A_147 to %parallel_loop3A_148 step %parallel_loop3A_149 iter_args(%parallel_loop3A_160 = %parallel_loop3A_146#0, %parallel_loop3A_161 = %parallel_loop3A_146#1, %parallel_loop3A_162 = %parallel_loop3A_146#2, %parallel_loop3A_163 = %parallel_loop3A_146#3) -> (vector<16xf32>, vector<16xf32>, vector<16xf32>, vector<16xf32>)  : i32 {
        %parallel_loop3A_164 = arith.constant 0 : i32
        %parallel_loop3A_165 = arith.addi %parallel_loop3A_159, %parallel_loop3A_164 : i32
        %parallel_loop3A_166 = arith.constant 1 : i32
        %parallel_loop3A_167 = arith.index_cast %parallel_loop3A_166 : i32 to index
        %parallel_loop3A_168 = arith.index_cast %parallel_loop3A_165 : i32 to index
        %parallel_loop3A_169 = tpu.vector_load %arg11[%parallel_loop3A_167, %parallel_loop3A_168] {strides = array<i32>} : memref<4x512xi32, #tpu.memory_space<vmem>>, vector<16xi32>,
        %parallel_loop3A_170 = arith.constant 0 : i32
        %parallel_loop3A_171 = arith.addi %parallel_loop3A_159, %parallel_loop3A_170 : i32
        %parallel_loop3A_172 = arith.constant 1 : i32
        %parallel_loop3A_173 = arith.index_cast %parallel_loop3A_172 : i32 to index
        %parallel_loop3A_174 = arith.index_cast %parallel_loop3A_171 : i32 to index
        %parallel_loop3A_175 = tpu.vector_load %arg9[%parallel_loop3A_173, %parallel_loop3A_174] {strides = array<i32>} : memref<4x512xf32, #tpu.memory_space<vmem>>, vector<16xf32>,
        %parallel_loop3A_176 = tpu.vector_load_idx %arg6[%parallel_loop3A_169] : memref<32xf32, #tpu.memory_space<vmem>>[vector<16xi32>], vector<16xf32>,
        %parallel_loop3A_177 = tpu.vector_load_idx %arg7[%parallel_loop3A_169] : memref<32xf32, #tpu.memory_space<vmem>>[vector<16xi32>], vector<16xf32>,
        %parallel_loop3A_178 = arith.subf %parallel_loop3A_176, %parallel_loop3A_175 : vector<16xf32>
        %parallel_loop3A_179 = arith.subf %parallel_loop3A_175, %parallel_loop3A_177 : vector<16xf32>
        %parallel_loop3A_180 = arith.maximumf %parallel_loop3A_178, %parallel_loop3A_179 : vector<16xf32>
        %parallel_loop3A_181 = arith.constant 0.000000e+00 : f32
        %parallel_loop3A_182 = vector.broadcast %parallel_loop3A_181 : f32 to vector<16xf32>
        %parallel_loop3A_183 = arith.maximumf %parallel_loop3A_180, %parallel_loop3A_182 : vector<16xf32>
        %parallel_loop3A_184 = arith.constant 2.000000e+00 : f32
        %parallel_loop3A_185 = vector.broadcast %parallel_loop3A_184 : f32 to vector<16xf32>
        %parallel_loop3A_186 = arith.cmpf olt, %parallel_loop3A_177, %parallel_loop3A_185 : vector<16xf32>
        %parallel_loop3A_187 = arith.constant 1.000000e+00 : f32
        %parallel_loop3A_188 = arith.constant 0.000000e+00 : f32
        %parallel_loop3A_189 = vector.broadcast %parallel_loop3A_187 : f32 to vector<16xf32>
        %parallel_loop3A_190 = vector.broadcast %parallel_loop3A_188 : f32 to vector<16xf32>
        %parallel_loop3A_191 = arith.select %parallel_loop3A_186, %parallel_loop3A_189, %parallel_loop3A_190 : vector<16xi1>, vector<16xf32>
        %parallel_loop3A_192 = arith.addf %parallel_loop3A_160, %parallel_loop3A_183 : vector<16xf32>
        %parallel_loop3A_193 = arith.addf %parallel_loop3A_161, %parallel_loop3A_191 : vector<16xf32>
        %parallel_loop3A_194 = arith.constant 16 : i32
        %parallel_loop3A_195 = arith.addi %parallel_loop3A_159, %parallel_loop3A_194 : i32
        %parallel_loop3A_196 = arith.constant 1 : i32
        %parallel_loop3A_197 = arith.index_cast %parallel_loop3A_196 : i32 to index
        %parallel_loop3A_198 = arith.index_cast %parallel_loop3A_195 : i32 to index
        %parallel_loop3A_199 = tpu.vector_load %arg11[%parallel_loop3A_197, %parallel_loop3A_198] {strides = array<i32>} : memref<4x512xi32, #tpu.memory_space<vmem>>, vector<16xi32>,
        %parallel_loop3A_200 = arith.constant 16 : i32
        %parallel_loop3A_201 = arith.addi %parallel_loop3A_159, %parallel_loop3A_200 : i32
        %parallel_loop3A_202 = arith.constant 1 : i32
        %parallel_loop3A_203 = arith.index_cast %parallel_loop3A_202 : i32 to index
        %parallel_loop3A_204 = arith.index_cast %parallel_loop3A_201 : i32 to index
        %parallel_loop3A_205 = tpu.vector_load %arg9[%parallel_loop3A_203, %parallel_loop3A_204] {strides = array<i32>} : memref<4x512xf32, #tpu.memory_space<vmem>>, vector<16xf32>,
        %parallel_loop3A_206 = tpu.vector_load_idx %arg6[%parallel_loop3A_199] : memref<32xf32, #tpu.memory_space<vmem>>[vector<16xi32>], vector<16xf32>,
        %parallel_loop3A_207 = tpu.vector_load_idx %arg7[%parallel_loop3A_199] : memref<32xf32, #tpu.memory_space<vmem>>[vector<16xi32>], vector<16xf32>,
        %parallel_loop3A_208 = arith.subf %parallel_loop3A_206, %parallel_loop3A_205 : vector<16xf32>
        %parallel_loop3A_209 = arith.subf %parallel_loop3A_205, %parallel_loop3A_207 : vector<16xf32>
        %parallel_loop3A_210 = arith.maximumf %parallel_loop3A_208, %parallel_loop3A_209 : vector<16xf32>
        %parallel_loop3A_211 = arith.constant 0.000000e+00 : f32
        %parallel_loop3A_212 = vector.broadcast %parallel_loop3A_211 : f32 to vector<16xf32>
        %parallel_loop3A_213 = arith.maximumf %parallel_loop3A_210, %parallel_loop3A_212 : vector<16xf32>
        %parallel_loop3A_214 = arith.constant 2.000000e+00 : f32
        %parallel_loop3A_215 = vector.broadcast %parallel_loop3A_214 : f32 to vector<16xf32>
        %parallel_loop3A_216 = arith.cmpf olt, %parallel_loop3A_207, %parallel_loop3A_215 : vector<16xf32>
        %parallel_loop3A_217 = arith.constant 1.000000e+00 : f32
        %parallel_loop3A_218 = arith.constant 0.000000e+00 : f32
        %parallel_loop3A_219 = vector.broadcast %parallel_loop3A_217 : f32 to vector<16xf32>
        %parallel_loop3A_220 = vector.broadcast %parallel_loop3A_218 : f32 to vector<16xf32>
        %parallel_loop3A_221 = arith.select %parallel_loop3A_216, %parallel_loop3A_219, %parallel_loop3A_220 : vector<16xi1>, vector<16xf32>
        %parallel_loop3A_222 = arith.addf %parallel_loop3A_162, %parallel_loop3A_213 : vector<16xf32>
        %parallel_loop3A_223 = arith.addf %parallel_loop3A_163, %parallel_loop3A_221 : vector<16xf32>
        scf.yield %parallel_loop3A_192, %parallel_loop3A_193, %parallel_loop3A_222, %parallel_loop3A_223 : vector<16xf32>, vector<16xf32>, vector<16xf32>, vector<16xf32>
      } {sc.loop_unroll_factor = 4 : i64, sc.parallel_access}
      %parallel_loop3A_151 = arith.constant 0 : i32
      %parallel_loop3A_152 = arith.constant 512 : i32
      %parallel_loop3A_153 = arith.constant 32 : i32
      %parallel_loop3A_154:4 = scf.for %parallel_loop3A_159 = %parallel_loop3A_151 to %parallel_loop3A_152 step %parallel_loop3A_153 iter_args(%parallel_loop3A_160 = %parallel_loop3A_150#0, %parallel_loop3A_161 = %parallel_loop3A_150#1, %parallel_loop3A_162 = %parallel_loop3A_150#2, %parallel_loop3A_163 = %parallel_loop3A_150#3) -> (vector<16xf32>, vector<16xf32>, vector<16xf32>, vector<16xf32>)  : i32 {
        %parallel_loop3A_164 = arith.constant 0 : i32
        %parallel_loop3A_165 = arith.addi %parallel_loop3A_159, %parallel_loop3A_164 : i32
        %parallel_loop3A_166 = arith.constant 2 : i32
        %parallel_loop3A_167 = arith.index_cast %parallel_loop3A_166 : i32 to index
        %parallel_loop3A_168 = arith.index_cast %parallel_loop3A_165 : i32 to index
        %parallel_loop3A_169 = tpu.vector_load %arg11[%parallel_loop3A_167, %parallel_loop3A_168] {strides = array<i32>} : memref<4x512xi32, #tpu.memory_space<vmem>>, vector<16xi32>,
        %parallel_loop3A_170 = arith.constant 0 : i32
        %parallel_loop3A_171 = arith.addi %parallel_loop3A_159, %parallel_loop3A_170 : i32
        %parallel_loop3A_172 = arith.constant 2 : i32
        %parallel_loop3A_173 = arith.index_cast %parallel_loop3A_172 : i32 to index
        %parallel_loop3A_174 = arith.index_cast %parallel_loop3A_171 : i32 to index
        %parallel_loop3A_175 = tpu.vector_load %arg9[%parallel_loop3A_173, %parallel_loop3A_174] {strides = array<i32>} : memref<4x512xf32, #tpu.memory_space<vmem>>, vector<16xf32>,
        %parallel_loop3A_176 = tpu.vector_load_idx %arg6[%parallel_loop3A_169] : memref<32xf32, #tpu.memory_space<vmem>>[vector<16xi32>], vector<16xf32>,
        %parallel_loop3A_177 = tpu.vector_load_idx %arg7[%parallel_loop3A_169] : memref<32xf32, #tpu.memory_space<vmem>>[vector<16xi32>], vector<16xf32>,
        %parallel_loop3A_178 = arith.subf %parallel_loop3A_176, %parallel_loop3A_175 : vector<16xf32>
        %parallel_loop3A_179 = arith.subf %parallel_loop3A_175, %parallel_loop3A_177 : vector<16xf32>
        %parallel_loop3A_180 = arith.maximumf %parallel_loop3A_178, %parallel_loop3A_179 : vector<16xf32>
        %parallel_loop3A_181 = arith.constant 0.000000e+00 : f32
        %parallel_loop3A_182 = vector.broadcast %parallel_loop3A_181 : f32 to vector<16xf32>
        %parallel_loop3A_183 = arith.maximumf %parallel_loop3A_180, %parallel_loop3A_182 : vector<16xf32>
        %parallel_loop3A_184 = arith.constant 2.000000e+00 : f32
        %parallel_loop3A_185 = vector.broadcast %parallel_loop3A_184 : f32 to vector<16xf32>
        %parallel_loop3A_186 = arith.cmpf olt, %parallel_loop3A_177, %parallel_loop3A_185 : vector<16xf32>
        %parallel_loop3A_187 = arith.constant 1.000000e+00 : f32
        %parallel_loop3A_188 = arith.constant 0.000000e+00 : f32
        %parallel_loop3A_189 = vector.broadcast %parallel_loop3A_187 : f32 to vector<16xf32>
        %parallel_loop3A_190 = vector.broadcast %parallel_loop3A_188 : f32 to vector<16xf32>
        %parallel_loop3A_191 = arith.select %parallel_loop3A_186, %parallel_loop3A_189, %parallel_loop3A_190 : vector<16xi1>, vector<16xf32>
        %parallel_loop3A_192 = arith.addf %parallel_loop3A_160, %parallel_loop3A_183 : vector<16xf32>
        %parallel_loop3A_193 = arith.addf %parallel_loop3A_161, %parallel_loop3A_191 : vector<16xf32>
        %parallel_loop3A_194 = arith.constant 16 : i32
        %parallel_loop3A_195 = arith.addi %parallel_loop3A_159, %parallel_loop3A_194 : i32
        %parallel_loop3A_196 = arith.constant 2 : i32
        %parallel_loop3A_197 = arith.index_cast %parallel_loop3A_196 : i32 to index
        %parallel_loop3A_198 = arith.index_cast %parallel_loop3A_195 : i32 to index
        %parallel_loop3A_199 = tpu.vector_load %arg11[%parallel_loop3A_197, %parallel_loop3A_198] {strides = array<i32>} : memref<4x512xi32, #tpu.memory_space<vmem>>, vector<16xi32>,
        %parallel_loop3A_200 = arith.constant 16 : i32
        %parallel_loop3A_201 = arith.addi %parallel_loop3A_159, %parallel_loop3A_200 : i32
        %parallel_loop3A_202 = arith.constant 2 : i32
        %parallel_loop3A_203 = arith.index_cast %parallel_loop3A_202 : i32 to index
        %parallel_loop3A_204 = arith.index_cast %parallel_loop3A_201 : i32 to index
        %parallel_loop3A_205 = tpu.vector_load %arg9[%parallel_loop3A_203, %parallel_loop3A_204] {strides = array<i32>} : memref<4x512xf32, #tpu.memory_space<vmem>>, vector<16xf32>,
        %parallel_loop3A_206 = tpu.vector_load_idx %arg6[%parallel_loop3A_199] : memref<32xf32, #tpu.memory_space<vmem>>[vector<16xi32>], vector<16xf32>,
        %parallel_loop3A_207 = tpu.vector_load_idx %arg7[%parallel_loop3A_199] : memref<32xf32, #tpu.memory_space<vmem>>[vector<16xi32>], vector<16xf32>,
        %parallel_loop3A_208 = arith.subf %parallel_loop3A_206, %parallel_loop3A_205 : vector<16xf32>
        %parallel_loop3A_209 = arith.subf %parallel_loop3A_205, %parallel_loop3A_207 : vector<16xf32>
        %parallel_loop3A_210 = arith.maximumf %parallel_loop3A_208, %parallel_loop3A_209 : vector<16xf32>
        %parallel_loop3A_211 = arith.constant 0.000000e+00 : f32
        %parallel_loop3A_212 = vector.broadcast %parallel_loop3A_211 : f32 to vector<16xf32>
        %parallel_loop3A_213 = arith.maximumf %parallel_loop3A_210, %parallel_loop3A_212 : vector<16xf32>
        %parallel_loop3A_214 = arith.constant 2.000000e+00 : f32
        %parallel_loop3A_215 = vector.broadcast %parallel_loop3A_214 : f32 to vector<16xf32>
        %parallel_loop3A_216 = arith.cmpf olt, %parallel_loop3A_207, %parallel_loop3A_215 : vector<16xf32>
        %parallel_loop3A_217 = arith.constant 1.000000e+00 : f32
        %parallel_loop3A_218 = arith.constant 0.000000e+00 : f32
        %parallel_loop3A_219 = vector.broadcast %parallel_loop3A_217 : f32 to vector<16xf32>
        %parallel_loop3A_220 = vector.broadcast %parallel_loop3A_218 : f32 to vector<16xf32>
        %parallel_loop3A_221 = arith.select %parallel_loop3A_216, %parallel_loop3A_219, %parallel_loop3A_220 : vector<16xi1>, vector<16xf32>
        %parallel_loop3A_222 = arith.addf %parallel_loop3A_162, %parallel_loop3A_213 : vector<16xf32>
        %parallel_loop3A_223 = arith.addf %parallel_loop3A_163, %parallel_loop3A_221 : vector<16xf32>
        scf.yield %parallel_loop3A_192, %parallel_loop3A_193, %parallel_loop3A_222, %parallel_loop3A_223 : vector<16xf32>, vector<16xf32>, vector<16xf32>, vector<16xf32>
      } {sc.loop_unroll_factor = 4 : i64, sc.parallel_access}
      %parallel_loop3A_155 = arith.constant 0 : i32
      %parallel_loop3A_156 = arith.constant 512 : i32
      %parallel_loop3A_157 = arith.constant 32 : i32
      %parallel_loop3A_158:4 = scf.for %parallel_loop3A_159 = %parallel_loop3A_155 to %parallel_loop3A_156 step %parallel_loop3A_157 iter_args(%parallel_loop3A_160 = %parallel_loop3A_154#0, %parallel_loop3A_161 = %parallel_loop3A_154#1, %parallel_loop3A_162 = %parallel_loop3A_154#2, %parallel_loop3A_163 = %parallel_loop3A_154#3) -> (vector<16xf32>, vector<16xf32>, vector<16xf32>, vector<16xf32>)  : i32 {
        %parallel_loop3A_164 = arith.constant 0 : i32
        %parallel_loop3A_165 = arith.addi %parallel_loop3A_159, %parallel_loop3A_164 : i32
        %parallel_loop3A_166 = arith.constant 3 : i32
        %parallel_loop3A_167 = arith.index_cast %parallel_loop3A_166 : i32 to index
        %parallel_loop3A_168 = arith.index_cast %parallel_loop3A_165 : i32 to index
        %parallel_loop3A_169 = tpu.vector_load %arg11[%parallel_loop3A_167, %parallel_loop3A_168] {strides = array<i32>} : memref<4x512xi32, #tpu.memory_space<vmem>>, vector<16xi32>,
        %parallel_loop3A_170 = arith.constant 0 : i32
        %parallel_loop3A_171 = arith.addi %parallel_loop3A_159, %parallel_loop3A_170 : i32
        %parallel_loop3A_172 = arith.constant 3 : i32
        %parallel_loop3A_173 = arith.index_cast %parallel_loop3A_172 : i32 to index
        %parallel_loop3A_174 = arith.index_cast %parallel_loop3A_171 : i32 to index
        %parallel_loop3A_175 = tpu.vector_load %arg9[%parallel_loop3A_173, %parallel_loop3A_174] {strides = array<i32>} : memref<4x512xf32, #tpu.memory_space<vmem>>, vector<16xf32>,
        %parallel_loop3A_176 = tpu.vector_load_idx %arg6[%parallel_loop3A_169] : memref<32xf32, #tpu.memory_space<vmem>>[vector<16xi32>], vector<16xf32>,
        %parallel_loop3A_177 = tpu.vector_load_idx %arg7[%parallel_loop3A_169] : memref<32xf32, #tpu.memory_space<vmem>>[vector<16xi32>], vector<16xf32>,
        %parallel_loop3A_178 = arith.subf %parallel_loop3A_176, %parallel_loop3A_175 : vector<16xf32>
        %parallel_loop3A_179 = arith.subf %parallel_loop3A_175, %parallel_loop3A_177 : vector<16xf32>
        %parallel_loop3A_180 = arith.maximumf %parallel_loop3A_178, %parallel_loop3A_179 : vector<16xf32>
        %parallel_loop3A_181 = arith.constant 0.000000e+00 : f32
        %parallel_loop3A_182 = vector.broadcast %parallel_loop3A_181 : f32 to vector<16xf32>
        %parallel_loop3A_183 = arith.maximumf %parallel_loop3A_180, %parallel_loop3A_182 : vector<16xf32>
        %parallel_loop3A_184 = arith.constant 2.000000e+00 : f32
        %parallel_loop3A_185 = vector.broadcast %parallel_loop3A_184 : f32 to vector<16xf32>
        %parallel_loop3A_186 = arith.cmpf olt, %parallel_loop3A_177, %parallel_loop3A_185 : vector<16xf32>
        %parallel_loop3A_187 = arith.constant 1.000000e+00 : f32
        %parallel_loop3A_188 = arith.constant 0.000000e+00 : f32
        %parallel_loop3A_189 = vector.broadcast %parallel_loop3A_187 : f32 to vector<16xf32>
        %parallel_loop3A_190 = vector.broadcast %parallel_loop3A_188 : f32 to vector<16xf32>
        %parallel_loop3A_191 = arith.select %parallel_loop3A_186, %parallel_loop3A_189, %parallel_loop3A_190 : vector<16xi1>, vector<16xf32>
        %parallel_loop3A_192 = arith.addf %parallel_loop3A_160, %parallel_loop3A_183 : vector<16xf32>
        %parallel_loop3A_193 = arith.addf %parallel_loop3A_161, %parallel_loop3A_191 : vector<16xf32>
        %parallel_loop3A_194 = arith.constant 16 : i32
        %parallel_loop3A_195 = arith.addi %parallel_loop3A_159, %parallel_loop3A_194 : i32
        %parallel_loop3A_196 = arith.constant 3 : i32
        %parallel_loop3A_197 = arith.index_cast %parallel_loop3A_196 : i32 to index
        %parallel_loop3A_198 = arith.index_cast %parallel_loop3A_195 : i32 to index
        %parallel_loop3A_199 = tpu.vector_load %arg11[%parallel_loop3A_197, %parallel_loop3A_198] {strides = array<i32>} : memref<4x512xi32, #tpu.memory_space<vmem>>, vector<16xi32>,
        %parallel_loop3A_200 = arith.constant 16 : i32
        %parallel_loop3A_201 = arith.addi %parallel_loop3A_159, %parallel_loop3A_200 : i32
        %parallel_loop3A_202 = arith.constant 3 : i32
        %parallel_loop3A_203 = arith.index_cast %parallel_loop3A_202 : i32 to index
        %parallel_loop3A_204 = arith.index_cast %parallel_loop3A_201 : i32 to index
        %parallel_loop3A_205 = tpu.vector_load %arg9[%parallel_loop3A_203, %parallel_loop3A_204] {strides = array<i32>} : memref<4x512xf32, #tpu.memory_space<vmem>>, vector<16xf32>,
        %parallel_loop3A_206 = tpu.vector_load_idx %arg6[%parallel_loop3A_199] : memref<32xf32, #tpu.memory_space<vmem>>[vector<16xi32>], vector<16xf32>,
        %parallel_loop3A_207 = tpu.vector_load_idx %arg7[%parallel_loop3A_199] : memref<32xf32, #tpu.memory_space<vmem>>[vector<16xi32>], vector<16xf32>,
        %parallel_loop3A_208 = arith.subf %parallel_loop3A_206, %parallel_loop3A_205 : vector<16xf32>
        %parallel_loop3A_209 = arith.subf %parallel_loop3A_205, %parallel_loop3A_207 : vector<16xf32>
        %parallel_loop3A_210 = arith.maximumf %parallel_loop3A_208, %parallel_loop3A_209 : vector<16xf32>
        %parallel_loop3A_211 = arith.constant 0.000000e+00 : f32
        %parallel_loop3A_212 = vector.broadcast %parallel_loop3A_211 : f32 to vector<16xf32>
        %parallel_loop3A_213 = arith.maximumf %parallel_loop3A_210, %parallel_loop3A_212 : vector<16xf32>
        %parallel_loop3A_214 = arith.constant 2.000000e+00 : f32
        %parallel_loop3A_215 = vector.broadcast %parallel_loop3A_214 : f32 to vector<16xf32>
        %parallel_loop3A_216 = arith.cmpf olt, %parallel_loop3A_207, %parallel_loop3A_215 : vector<16xf32>
        %parallel_loop3A_217 = arith.constant 1.000000e+00 : f32
        %parallel_loop3A_218 = arith.constant 0.000000e+00 : f32
        %parallel_loop3A_219 = vector.broadcast %parallel_loop3A_217 : f32 to vector<16xf32>
        %parallel_loop3A_220 = vector.broadcast %parallel_loop3A_218 : f32 to vector<16xf32>
        %parallel_loop3A_221 = arith.select %parallel_loop3A_216, %parallel_loop3A_219, %parallel_loop3A_220 : vector<16xi1>, vector<16xf32>
        %parallel_loop3A_222 = arith.addf %parallel_loop3A_162, %parallel_loop3A_213 : vector<16xf32>
        %parallel_loop3A_223 = arith.addf %parallel_loop3A_163, %parallel_loop3A_221 : vector<16xf32>
        scf.yield %parallel_loop3A_192, %parallel_loop3A_193, %parallel_loop3A_222, %parallel_loop3A_223 : vector<16xf32>, vector<16xf32>, vector<16xf32>, vector<16xf32>
      } {sc.loop_unroll_factor = 4 : i64, sc.parallel_access}
      scf.yield %parallel_loop3A_158#0, %parallel_loop3A_158#1, %parallel_loop3A_158#2, %parallel_loop3A_158#3 : vector<16xf32>, vector<16xf32>, vector<16xf32>, vector<16xf32>
    }
    %scan3A_24 = arith.constant 32 : i32
    %dma_wait3A = tpu.memref_reshape %arg2 : memref<16x1x512x512xf32, #tpu.memory_space<hbm>> -> memref<8192x512xf32, #tpu.memory_space<hbm>>
    %dma_wait3A_25 = arith.constant 0 : i32
    %dma_wait3A_26 = arith.constant 0 : i32
    %dma_wait3A_27 = tpu.memref_slice %dma_wait3A[%dma_wait3A_25, %dma_wait3A_26] : memref<8192x512xf32, #tpu.memory_space<hbm>> -> memref<4x512xf32, #tpu.memory_space<hbm>>
    %dma_wait3A_28 = tpu.memref_reshape %arg2 : memref<16x1x512x512xf32, #tpu.memory_space<hbm>> -> memref<8192x512xf32, #tpu.memory_space<hbm>>
    %dma_wait3A_29 = arith.constant 0 : i32
    %dma_wait3A_30 = arith.constant 0 : i32
    %dma_wait3A_31 = tpu.memref_slice %dma_wait3A_28[%dma_wait3A_29, %dma_wait3A_30] : memref<8192x512xf32, #tpu.memory_space<hbm>> -> memref<4x512xf32, #tpu.memory_space<hbm>>
    tpu.wait_dma2 semaphore(%arg13 : memref<!tpu.dma_semaphore, #tpu.memory_space<semaphore_mem>>) src(%dma_wait3A_31 : memref<4x512xf32, #tpu.memory_space<hbm>>) dst(%arg8 : memref<4x512xf32, #tpu.memory_space<vmem>>)
    %dma_wait3A_32 = tpu.memref_reshape %arg3 : memref<16x512x512xi32, #tpu.memory_space<hbm>> -> memref<8192x512xi32, #tpu.memory_space<hbm>>
    %dma_wait3A_33 = arith.constant 0 : i32
    %dma_wait3A_34 = arith.constant 0 : i32
    %dma_wait3A_35 = tpu.memref_slice %dma_wait3A_32[%dma_wait3A_33, %dma_wait3A_34] : memref<8192x512xi32, #tpu.memory_space<hbm>> -> memref<4x512xi32, #tpu.memory_space<hbm>>
    %dma_wait3A_36 = tpu.memref_reshape %arg3 : memref<16x512x512xi32, #tpu.memory_space<hbm>> -> memref<8192x512xi32, #tpu.memory_space<hbm>>
    %dma_wait3A_37 = arith.constant 0 : i32
    %dma_wait3A_38 = arith.constant 0 : i32
    %dma_wait3A_39 = tpu.memref_slice %dma_wait3A_36[%dma_wait3A_37, %dma_wait3A_38] : memref<8192x512xi32, #tpu.memory_space<hbm>> -> memref<4x512xi32, #tpu.memory_space<hbm>>
    tpu.wait_dma2 semaphore(%arg15 : memref<!tpu.dma_semaphore, #tpu.memory_space<semaphore_mem>>) src(%dma_wait3A_39 : memref<4x512xi32, #tpu.memory_space<hbm>>) dst(%arg10 : memref<4x512xi32, #tpu.memory_space<vmem>>)
    %add3A_40 = arith.addf %scan3A_23#0, %scan3A_23#2 : vector<16xf32>
    %swap3A = arith.constant 0 : index
    %swap3A_41 = tpu.vector_load %arg12[%swap3A] {strides = array<i32>} : memref<16xf32, #tpu.memory_space<vmem>>, vector<16xf32>,
    tpu.vector_store %arg12[%swap3A], %add3A_40 {strides = array<i32>} : memref<16xf32, #tpu.memory_space<vmem>>, vector<16xf32>,
    %mul3A_42 = arith.constant 16 : i32
    %mul3A_43 = arith.muli %add3A, %mul3A_42 : i32
    "tpu.region"() ({
      %run_scoped3A = tpu.sem_alloc : memref<!tpu.dma_semaphore, #tpu.memory_space<semaphore_mem>>
      %dma_start3A_51 = tpu.memref_slice %arg5[%mul3A_43] : memref<1024xf32, #tpu.memory_space<hbm>> -> memref<16xf32, #tpu.memory_space<hbm>>
      %dma_start3A_52 = tpu.memref_slice %arg5[%mul3A_43] : memref<1024xf32, #tpu.memory_space<hbm>> -> memref<16xf32, #tpu.memory_space<hbm>>
      tpu.enqueue_dma source(%arg12 : memref<16xf32, #tpu.memory_space<vmem>>) target(%dma_start3A_52 : memref<16xf32, #tpu.memory_space<hbm>>) target_semaphore(%run_scoped3A : memref<!tpu.dma_semaphore, #tpu.memory_space<semaphore_mem>>)
      %dma_wait3A_53 = tpu.memref_slice %arg5[%mul3A_43] : memref<1024xf32, #tpu.memory_space<hbm>> -> memref<16xf32, #tpu.memory_space<hbm>>
      %dma_wait3A_54 = tpu.memref_slice %arg5[%mul3A_43] : memref<1024xf32, #tpu.memory_space<hbm>> -> memref<16xf32, #tpu.memory_space<hbm>>
      tpu.wait_dma2 semaphore(%run_scoped3A : memref<!tpu.dma_semaphore, #tpu.memory_space<semaphore_mem>>) src(%arg12 : memref<16xf32, #tpu.memory_space<vmem>>) dst(%dma_wait3A_54 : memref<16xf32, #tpu.memory_space<hbm>>)
      tpu.yield
    }) : () -> ()
    %add3A_44 = arith.addf %scan3A_23#1, %scan3A_23#3 : vector<16xf32>
    %swap3A_45 = arith.constant 0 : index
    %swap3A_46 = tpu.vector_load %arg12[%swap3A_45] {strides = array<i32>} : memref<16xf32, #tpu.memory_space<vmem>>, vector<16xf32>,
    tpu.vector_store %arg12[%swap3A_45], %add3A_44 {strides = array<i32>} : memref<16xf32, #tpu.memory_space<vmem>>, vector<16xf32>,
    %mul3A_47 = arith.constant 16 : i32
    %mul3A_48 = arith.muli %add3A, %mul3A_47 : i32
    %add3A_49 = arith.constant 512 : i32
    %add3A_50 = arith.addi %add3A_49, %mul3A_48 : i32
    "tpu.region"() ({
      %run_scoped3A = tpu.sem_alloc : memref<!tpu.dma_semaphore, #tpu.memory_space<semaphore_mem>>
      %dma_start3A_51 = tpu.memref_slice %arg5[%add3A_50] : memref<1024xf32, #tpu.memory_space<hbm>> -> memref<16xf32, #tpu.memory_space<hbm>>
      %dma_start3A_52 = tpu.memref_slice %arg5[%add3A_50] : memref<1024xf32, #tpu.memory_space<hbm>> -> memref<16xf32, #tpu.memory_space<hbm>>
      tpu.enqueue_dma source(%arg12 : memref<16xf32, #tpu.memory_space<vmem>>) target(%dma_start3A_52 : memref<16xf32, #tpu.memory_space<hbm>>) target_semaphore(%run_scoped3A : memref<!tpu.dma_semaphore, #tpu.memory_space<semaphore_mem>>)
      %dma_wait3A_53 = tpu.memref_slice %arg5[%add3A_50] : memref<1024xf32, #tpu.memory_space<hbm>> -> memref<16xf32, #tpu.memory_space<hbm>>
      %dma_wait3A_54 = tpu.memref_slice %arg5[%add3A_50] : memref<1024xf32, #tpu.memory_space<hbm>> -> memref<16xf32, #tpu.memory_space<hbm>>
      tpu.wait_dma2 semaphore(%run_scoped3A : memref<!tpu.dma_semaphore, #tpu.memory_space<semaphore_mem>>) src(%arg12 : memref<16xf32, #tpu.memory_space<vmem>>) dst(%dma_wait3A_54 : memref<16xf32, #tpu.memory_space<hbm>>)
      tpu.yield
    }) : () -> ()
    return
  }
}

</mosaic_0001>

<sc_bundles>
// kernel: kernel.3.cloned.1.call-start
scs
__scs_entry_jumppad:
0x0: {  	(pc) =	sbr.rel $0x88, $3  }
0x1: {  	(tag) =	ssettag $0x0;
	lr =	simm.s32 $0x1  }
0x2: {  	[smem:$0x3F9F] =	sst lr;
	_ =	strace $0xD0000000  }
0x3: {  	_ = 	snop  }
0x4: {  	_ = 	snop  }
0x5: {  	_ = 	snop  }
0x6: {  	_ = 	snop  }
0x7: {  	_ = 	snop  }
__scs_overlays_trampoline_lowered:
0x8: {  	[smem:$0x3FAE] =	sst s0  }
0x9: {  	[smem:$0x3FAF] =	sst s1  }
0xa: {  	[smem:$0x3FB0] =	sst s2  }
0xb: {  	[smem:$0x3FB1] =	sst s3  }
0xc: {  	[smem:$0x3FB2] =	sst s4  }
0xd: {  	[smem:$0x3FB3] =	sst s5  }
0xe: {  	[smem:$0x3FB4] =	sst s6  }
0xf: {  	[smem:$0x3FB5] =	sst s7  }
0x10: {  	[smem:$0x3FB6] =	sst s8  }
0x11: {  	[smem:$0x3FB7] =	sst s9;
	s0 =	simm.s32 @!p0 $0x0  }
0x12: {  	s1 =	sld [smem:$0x3F9D];
	s0 =	simm.s32 @p0 $0x1  }
0x13: {  	[smem:$0x3FB8] =	sst s0;
	s0 =	simm.s32 @!p1 $0x0  }
0x14: {  	s2 =	sld [smem:$0x3F9C];
	s0 =	simm.s32 @p1 $0x1  }
0x15: {  	[smem:$0x3FB9] =	sst s0;
	s0 =	simm.s32 @!p2 $0x0  }
0x16: {  	s3 =	sld [smem:$0x3FDB];
	s0 =	simm.s32 @p2 $0x1  }
0x17: {  	s4 =	simm.s32 $0x1BF5;
	[smem:$0x3FBB] =	sst s0  }
0x18: {  	s0 =	sld [smem:$0x3F9E];
	_ =	swait.ge [sflag:s4], $0x0  }
0x19: {  	s7 =	sld [smem:$0x3F9F]  }
0x1a: {  	s8 =	sadd.s32 $0xFFFFE003, lr  }
0x1b: {  	s9 =	sadd.s32 $0xFFFFFEF7, lr;
	s5 =	simm.s32 $0xFFFFFFFF;
	p2 =	slt.u32 s8, $0xFFFFF086  }
0x1c: {  	p1 =	slt.u32 s9, $0xF7A;
	s5 =	simm.s32 @!p2 $0x0  }
0x1d: {  	s5 =	simm.s32 @p1 $0x1;
	p0 =	seq.s32 s7, s2  }
0x1e: {  	s7 =	smul.u32 @!p0 $0xF7A, s2;
	p2 =	seq.s32 @!p0 s5, $0x0  }
0x1f: {  	s9 =	smul.u32 $0xF7A, s1;
	s8 =	simm.s32 @!p0 $0x1BF5;
	p2 =	por !p2, p0  }
0x20: {  	[sflag:s8] =	ssyncset.s32 @!p0 $0xFFFFF086;
	s6 =	sadd.s32 @!p0 s3, s7;
	s7 =	simm.s32 @!p0 $0x108  }
0x21: {  	s3 =	sadd.s32 s3, s9;
	s6 =	sadd.s32 @!p0 $0x88, s6;
	s7 =	simm.s32 @p2 $0x1082  }
0x22: {  	[simem:s7], [sflag:s8] =	dma.local @!p0 [hbm:s6], $0xF7A  }
0x23: {  	s9 =	sor.u32 $0xD0000000, s2;
	s6 =	simm.s32 $0x108;
	_ =	swait.ge @!p0 [sflag:s8], $0x0  }
0x24: {  	s3 =	sadd.s32 $0x88, s3;
	s6 =	simm.s32 @!p1 $0x1082;
	[sflag:s4] =	ssyncset.s32 $0xFFFFF086  }
0x25: {  	[simem:s6], [sflag:s4] =	dma.local [hbm:s3], $0xF7A  }
0x26: {  	[smem:$0x3F9F] =	sst s1;
	(tag) =	ssettag s2;
	_ =	strace s9  }
0x27: {  	s1 =	sld [smem:$0x3FAF]  }
0x28: {  	s2 =	sld [smem:$0x3FB0]  }
0x29: {  	s4 =	sld [smem:$0x3FB2]  }
0x2a: {  	p0 =	seq.s32 s5, $0x0;
	s5 =	sld [smem:$0x3FB3]  }
0x2b: {  	s6 =	sld [smem:$0x3FB4]  }
0x2c: {  	s7 =	sld [smem:$0x3FB5]  }
0x2d: {  	s3 =	simm.s32 $0x108;
	s8 =	sld [smem:$0x3FB6]  }
0x2e: {  	s3 =	simm.s32 @!p0 $0x1082;
	s9 =	sld [smem:$0x3FB7]  }
0x2f: {  	lr =	sadd.s32 s0, s3;
	s0 =	sld [smem:$0x3FAE]  }
0x30: {  	s3 =	sld [smem:$0x3FB1]  }
0x31: {  	[smem:$0x3FBA] =	sst s10  }
0x32: {  	s10 =	sld [smem:$0x3FB8];
	_ =	sdelay $0x3  }
0x33: {  	p0 =	seq.s32 s10, $0x1;
	s10 =	sld [smem:$0x3FBA];
	_ =	sdelay $0x3  }
0x34: {  	[smem:$0x3FBA] =	sst s10  }
0x35: {  	s10 =	sld [smem:$0x3FB9];
	_ =	sdelay $0x3  }
0x36: {  	p1 =	seq.s32 s10, $0x1;
	s10 =	sld [smem:$0x3FBA];
	_ =	sdelay $0x3  }
0x37: {  	[smem:$0x3FBA] =	sst s10  }
0x38: {  	s10 =	sld [smem:$0x3FBB]  }
0x39: {  	_ = 	snop;
	(pc) =	sbr.ind lr, $3  }
0x3a: {  	_ = 	snop  }
0x3b: {  	_ = 	snop  }
0x3c: {  	p2 =	seq.s32 s10, $0x1;
	s10 =	sld [smem:$0x3FBA]  }
0x3d: {  	_ =	shalt  }
0x3e: {  	_ =	shalt  }
0x3f: {  	_ =	shalt  }
0x40: {  	_ =	shalt  }
0x41: {  	_ =	shalt  }
0x42: {  	_ =	shalt  }
0x43: {  	_ =	shalt  }
0x44: {  	_ =	shalt  }
0x45: {  	_ =	shalt  }
0x46: {  	_ =	shalt  }
0x47: {  	_ =	shalt  }
0x48: {  	_ =	shalt  }
0x49: {  	_ =	shalt  }
0x4a: {  	_ =	shalt  }
0x4b: {  	_ =	shalt  }
0x4c: {  	_ =	shalt  }
0x4d: {  	_ =	shalt  }
0x4e: {  	_ =	shalt  }
0x4f: {  	_ =	shalt  }
0x50: {  	_ =	shalt  }
0x51: {  	_ =	shalt  }
0x52: {  	_ =	shalt  }
0x53: {  	_ =	shalt  }
0x54: {  	_ =	shalt  }
0x55: {  	_ =	shalt  }
0x56: {  	_ =	shalt  }
0x57: {  	_ =	shalt  }
0x58: {  	_ =	shalt  }
0x59: {  	_ =	shalt  }
0x5a: {  	_ =	shalt  }
0x5b: {  	_ =	shalt  }
0x5c: {  	_ =	shalt  }
0x5d: {  	_ =	shalt  }
0x5e: {  	_ =	shalt  }
0x5f: {  	_ =	shalt  }
0x60: {  	_ =	shalt  }
0x61: {  	_ =	shalt  }
0x62: {  	_ =	shalt  }
0x63: {  	_ =	shalt  }
0x64: {  	_ =	shalt  }
0x65: {  	_ =	shalt  }
0x66: {  	_ =	shalt  }
0x67: {  	_ =	shalt  }
0x68: {  	_ =	shalt  }
0x69: {  	_ =	shalt  }
0x6a: {  	_ =	shalt  }
0x6b: {  	_ =	shalt  }
0x6c: {  	_ =	shalt  }
0x6d: {  	_ =	shalt  }
0x6e: {  	_ =	shalt  }
0x6f: {  	_ =	shalt  }
0x70: {  	_ =	shalt  }
0x71: {  	_ =	shalt  }
0x72: {  	_ =	shalt  }
0x73: {  	_ =	shalt  }
0x74: {  	_ =	shalt  }
0x75: {  	_ =	shalt  }
0x76: {  	_ =	shalt  }
0x77: {  	_ =	shalt  }
0x78: {  	_ =	shalt  }
0x79: {  	_ =	shalt  }
0x7a: {  	_ =	shalt  }
0x7b: {  	_ =	shalt  }
0x7c: {  	_ =	shalt  }
0x7d: {  	_ =	shalt  }
0x7e: {  	_ =	shalt  }
0x7f: {  	_ =	shalt  }
0x80: {  	_ =	shalt  }
0x81: {  	_ =	shalt  }
0x82: {  	_ =	shalt  }
0x83: {  	_ =	shalt  }
0x84: {  	_ =	shalt  }
0x85: {  	_ =	shalt  }
0x86: {  	_ =	shalt  }
0x87: {  	_ =	shalt  }
.Lfunc_end0:
.L_simem_size_0:
called_computation_lowered:
.L_overlay_start_0:
0x88: {  	s2 =	sld [smem:$0x3FD9]  }
0x89: {  	s3 =	sld [smem:$0x3FFE];
	_ =	sdelay $0x1  }
0x8a: {  	s1 =	srdreg.scid  }
0x8b: {  	s0 =	sand.u32 $0x1, s1  }
0x8c: {  	s17 =	sshll.u32 s0, $0xA;
	s2 =	sadd.s32 s3, s2  }
0x8d: {  	s2 =	sadd.s32 s2, s17  }
0x8e: {  	[smem:$0x3FC6] =	sst s2  }
0x8f: {  	_ = 	snop  }
0x90: {  	s2 =	sld [smem:$0x3FC9]  }
0x91: {  	s18 =	sld [smem:$0x3FC8]  }
0x92: {  	s4 =	sld [smem:$0x3FD0];
	(tm) =	ssettm $0x1  }
0x93: {  	s5 =	sld [smem:$0x3FFB];
	_ =	sdelay $0x3  }
0x94: {  	_ =	strace s5  }
0x95: {  	s5 =	sld [smem:$0x3FFC];
	_ =	sdelay $0x3  }
0x96: {  	_ =	strace s5  }
0x97: {  	s5 =	sld [smem:$0x3FFD];
	_ =	sdelay $0x3  }
0x98: {  	_ =	strace s5  }
0x99: {  	_ =	strace $0x8FFFFFFF  }
0x9a: {  	s19 =	sld [smem:$0x3FDB];
	_ =	sdelay $0x1  }
0x9b: {  	s6 =	simm.s32 $_scs_section_size  }
0x9c: {  	s7 =	simm.s32 $_size__tile_overlayer_lowered;
	s8 =	simm.s32 $_tile_overlayer_lowered  }
0x9d: {  	s22 =	simm.s32 $0x1BFF;
	s21 =	sshll.u32 s8, $0x1;
	s5 =	sadd.s32 s6, s19  }
0x9e: {  	s9 =	simm.s32 $0x0;
	s20 =	sshll.u32 s7, $0x1;
	s7 =	sadd.s32 s21, s5  }
0x9f: {  	[timem:s9], [sflag:s22] =	dma.local [hbm:s7], s20  }
0xa0: {  	_ =	swait.ge [sflag:s22], s20  }
0xa1: {  	s6 =	ssub.s32 $0x0, s20;
	[sflag:s22] =	ssyncset.done $0x0  }
0xa2: {  	[sflag:s22] =	ssyncadd.s32 s6;
	_ =	sdelay $0x1  }
0xa3: {  	s23 =	simm.s32 $0x1B8B  }
0xa4: {  	_ =	swait.ge [sflag:s23], $0x1  }
0xa5: {  	[sflag:s23] =	ssyncset.done $0x0  }
0xa6: {  	s25 =	simm.s32 $0x1B8E;
	s24 =	sld [smem:$0x3FFE];
	[sflag:s23] =	ssyncadd.s32 $0xFFFFFFFF  }
0xa7: {  	s26 =	simm.s32 $execute0_lowered;
	[smem:$0x3FD2] =	sst s25  }
0xa8: {  	s7 =	sshll.u32 s26, $0x1;
	_ =	strace $0x80000046;
	[dreg:$0x1] =	wrdreg $0xFFFFFFFF  }
0xa9: {  	s28 =	simm.s32 $_size_execute0_lowered;
	s5 =	sadd.s32 s5, s7;
	[dreg:$0x0] =	wrdreg $0x0  }
0xaa: {  	s7 =	sshll.u32 s28, $0x1;
	[dreg:$0x2] =	wrdreg s5  }
0xab: {  	[dreg:$0x3] =	wrdreg s7  }
0xac: {  	[dreg:$0x4] =	wrdreg $0xC0  }
0xad: {  	_ =	task [dreg:s9], $0x5FFFF  }
0xae: {  	[dreg:$0x1] =	wrdreg $0xFFFFFFFF  }
0xaf: {  	[dreg:$0x0] =	wrdreg $0x60  }
0xb0: {  	[dreg:$0x2] =	wrdreg s2  }
0xb1: {  	[dreg:$0x3] =	wrdreg s18  }
0xb2: {  	[dreg:$0x4] =	wrdreg s4  }
0xb3: {  	[dreg:$0x5] =	wrdreg s24  }
0xb4: {  	[dreg:$0x6] =	wrdreg $0x9  }
0xb5: {  	_ =	task.clear_ibuf [dreg:s9], $0x7FFFF;
	_ =	strace $0x90000046  }
0xb6: {  	s29 =	simm.s32 $0x9;
	_ =	strace $0x80000048  }
0xb7: {  	_ =	swait.ge [sflag:s29], $0x1  }
0xb8: {  	[sflag:s29] =	ssyncadd.s32 $0xFFFFFFFF  }
0xb9: {  	_ =	strace $0x90000048  }
0xba: {  	_ =	sfence  }
0xbb: {  	s30 =	sld [smem:$0x0];
	_ =	sdelay $0x2  }
0xbc: {  	s31 =	sshll.u32 s1, $0xD;
	s1 =	sshrl.u32 s1, $0x2  }
0xbd: {  	s3 =	sand.u32 $0x4000, s31;
	s1 =	sadd.s32 s1, s30  }
0xbe: {  	s0 =	sor.u32 s3, s0;
	s1 =	sshll.u32 s1, $0x11  }
0xbf: {  	s0 =	sor.u32 s1, s0  }
0xc0: {  	s0 =	sadd.s32 $0x8F2B, s0  }
0xc1: {  	[sflag:s0] =	ssyncadd.remote.s32 $0x1  }
0xc2: {  	_ =	sfence.sel $0xFFFF  }
0xc3: {  	[dreg:$0x0] =	wrdreg $0xFFFFFFFF;
	(pc) =	sbr.abs _section_cstart, $3  }
0xc4: {  	[dreg:$0x1] =	wrdreg $0xFFFFFFFF  }
0xc5: {  	_ =	task.clear_ibuf [dreg:s9], $0x2FFFF;
	_ =	strace $0x9FFFFFFF  }
0xc6: {  	(tm) =	ssettm $0x7FFFFFFF  }
0xc7: {  	_ =	shalt  }
tec
execute0_lowered:
.L_overlay_start_1:
0x0: {  	(tag) =	ssettag $0x1  }
0x1: {  	s1 =	rddreg [dreg:$0x0]  }
0x2: {  	s2 =	rddreg [dreg:$0x1]  }
0x3: {  	s8 =	rddreg [dreg:$0x2]  }
0x4: {  	s0 =	rddreg [dreg:$0x3];
	s3 =	srdreg.scid  }
0x5: {  	s5 =	simm.s32 $0x0;
	s6 =	stileid.u32;
	s14 =	simm.s32 $0x5  }
0x6: {  	s15 =	simm.s32 $0x80;
	s16 =	simm.s32 $0x200;
	s17 =	simm.s32 $0x400  }
0x7: {  	s18 =	simm.s32 $0x100;
	s19 =	simm.s32 $0x1100;
	s20 =	simm.s32 $0x900  }
0x8: {  	s21 =	simm.s32 $0x1900;
	s22 =	simm.s32 $0x1;
	s23 =	simm.s32 $0x3  }
0x9: {  	s24 =	simm.s32 $0x2;
	s25 =	simm.s32 $0x4;
	s26 =	simm.s32 $0x2100  }
0xa: {  	s28 =	simm.s32 $0x0;
	s3 =	sand.u32 $0x1, s3;
	s6 =	sshll.u32 s6, $0x1  }
0xb: {  	[smem:$0x7FF] =	sst s5;
	s4 =	ssub.s32 $0x2, s3;
	s3 =	sor.u32 s3, s6  }
0xc: {  	_ =	strace $0x80000047;
	s7 =	sshrl.u32 s4, $0x1;
	s6 =	sshll.u32 s3, $0xE  }
0xd: {  	s3 =	sshll.u32 s3, $0x1;
	s4 =	ssub.s32 s4, s7;
	s7 =	sadd.s32 $0x4, s8  }
0xe: {  	s8 =	sadd.s32 s1, s6;
	s9 =	sadd.s32 s0, s3;
	s10 =	sadd.s32 s2, s6  }
0xf: {  	v0 =	vimm.f32 $0.0e+00;
	s11 =	sor.u32 $0x40, s6;
	s12 =	sadd.s32 $0x40, s9;
	s13 =	smax.u32 s4, $0x1  }
.LBB2_1:
0x10: {  	s0 =	rddreg [dreg:$0x2]  }
0x11: {  	[tilespmem:s5], [sflag:$0x5] =	stream.linear.gather [hbm4b:s0+s5], $0x20, $0x38;
	[tilespmem:$0x2180] =	vst v63  }
0x12: {  	_ =	swait.ge [sflag:s14], $0x20  }
0x13: {  	[sflag:s14] =	ssyncset.done $0x0  }
0x14: {  	[sflag:s14] =	ssyncadd.s32 $0xFFFFFFE0  }
0x15: {  	[tilespmem:s15], [sflag:$0x5] =	stream.linear.gather [hbm4b:s7+s5], $0x20, $0x38;
	[tilespmem:$0x2180] =	vst v63  }
0x16: {  	_ =	swait.ge [sflag:s14], $0x20  }
0x17: {  	[sflag:s14] =	ssyncset.done $0x0  }
0x18: {  	[sflag:s14] =	ssyncadd.s32 $0xFFFFFFE0  }
0x19: {  	[tilespmem:s18], [sflag:$0x1] =	stream.strided.gather [hbm4b:s8+s16], $0x800, s17, s16, $0x38;
	[tilespmem:$0x2180] =	vst v63  }
0x1a: {  	v6 =	vimm.f32 $0.0e+00;
	s29 =	simm.s32 $0x0  }
0x1b: {  	v8 =	vimm.f32 $0.0e+00;
	v7 =	vimm.f32 $0.0e+00;
	v9 =	vimm.f32 $0.0e+00;
	[tilespmem:s19], [sflag:$0x3] =	stream.strided.gather [hbm4b:s10+s16], $0x800, s17, s16, $0x38;
	[tilespmem:$0x2180] =	vst v63  }
.LBB2_2:
0x1c: {  	s0 =	sshll.u32 s29, $0x9  }
0x1d: {  	s0 =	sadd.s32 s11, s0  }
0x1e: {  	s3 =	sadd.s32 s1, s0  }
0x1f: {  	[tilespmem:s20], [sflag:$0x2] =	stream.strided.gather [hbm4b:s3+s16], $0x800, s17, s16, $0x38;
	[tilespmem:$0x2180] =	vst v63  }
0x20: {  	s0 =	sadd.s32 s2, s0  }
0x21: {  	[tilespmem:s21], [sflag:$0x4] =	stream.strided.gather [hbm4b:s0+s16], $0x800, s17, s16, $0x38;
	[tilespmem:$0x2180] =	vst v63  }
0x22: {  	_ =	swait.ge [sflag:s22], $0x800  }
0x23: {  	[sflag:s22] =	ssyncset.done $0x0  }
0x24: {  	[sflag:s22] =	ssyncadd.s32 $0xFFFFF800  }
0x25: {  	_ =	swait.ge [sflag:s23], $0x800  }
0x26: {  	[sflag:s23] =	ssyncset.done $0x0  }
0x27: {  	s30 =	simm.s32 $0x140;
	[sflag:s23] =	ssyncadd.s32 $0xFFFFF800  }
0x28: {  	v1 =	vld [tilespmem:s30+$0x20]  }
0x29: {  	v2 =	vld [tilespmem:s30+$0x30]  }
0x2a: {  	v13 =	vld [tilespmem:s30+$0x0]  }
0x2b: {  	v11 =	vld [tilespmem:s30+$0x10]  }
0x2c: {  	v12 =	vld [tilespmem:s30+$0xFFFFFFE0]  }
0x2d: {  	v10 =	vld [tilespmem:s30+$0xFFFFFFF0]  }
0x2e: {  	s31 =	simm.s32 $0x1140;
	v14 =	vld [tilespmem:s30+$0xFFFFFFC0]  }
0x2f: {  	v3 =	vld [tilespmem:s31+$0x20]  }
0x30: {  	v4 =	vld [tilespmem:s31+$0x30]  }
0x31: {  	v5 =	vld [tilespmem:s31+$0x0]  }
0x32: {  	v15 =	vld [tilespmem:s31+$0x10]  }
0x33: {  	v17 =	vld [tilespmem:s31+$0xFFFFFFE0]  }
0x34: {  	v18 =	vld [tilespmem:s31+$0xFFFFFFF0]  }
0x35: {  	v19 =	vld [tilespmem:s31+$0xFFFFFFC0]  }
0x36: {  	v20 =	vld [tilespmem:s31+$0xFFFFFFD0]  }
0x37: {  	v21 =	vld.idx.msk [tilespmem:v3+s5+$0x0], $0xffff  }
0x38: {  	v3 =	vld.idx.msk [tilespmem:v3+s15+$0x0], $0xffff  }
0x39: {  	v24 =	vld.idx.msk [tilespmem:v4+s5+$0x0], $0xffff  }
0x3a: {  	v4 =	vld.idx.msk [tilespmem:v4+s15+$0x0], $0xffff  }
0x3b: {  	v27 =	vld.idx.msk [tilespmem:v5+s5+$0x0], $0xffff  }
0x3c: {  	v28 =	vld.idx.msk [tilespmem:v5+s15+$0x0], $0xffff  }
0x3d: {  	v25 =	vld.idx.msk [tilespmem:v15+s5+$0x0], $0xffff  }
0x3e: {  	v16 =	vld.idx.msk [tilespmem:v15+s15+$0x0], $0xffff  }
0x3f: {  	v26 =	vld.idx.msk [tilespmem:v17+s5+$0x0], $0xffff  }
0x40: {  	v17 =	vld.idx.msk [tilespmem:v17+s15+$0x0], $0xffff  }
0x41: {  	v22 =	vld.idx.msk [tilespmem:v18+s5+$0x0], $0xffff  }
0x42: {  	v15 =	vld.idx.msk [tilespmem:v18+s15+$0x0], $0xffff  }
0x43: {  	v31 =	vld.idx.msk [tilespmem:v19+s5+$0x0], $0xffff  }
0x44: {  	v29 =	vld.idx.msk [tilespmem:v19+s15+$0x0], $0xffff  }
0x45: {  	v23 =	vld.idx.msk [tilespmem:v20+s5+$0x0], $0xffff;
	v18 =	vsub.f32 v21, v1;
	vm0 =	vlt.f32 v3, $2.000000000e+00  }
0x46: {  	v19 =	vld.idx.msk [tilespmem:v20+s15+$0x0], $0xffff;
	v21 =	vsub.f32 v1, v3;
	v20 =	vsub.f32 v24, v2;
	vm1 =	vlt.f32 v4, $2.000000000e+00  }
0x47: {  	s4 =	simm.s32 $0x340;
	s0 =	simm.s32 $0x0;
	v30 =	vld [tilespmem:s30+$0xFFFFFFD0];
	v27 =	vsub.f32 v27, v13;
	vm2 =	vlt.f32 v28, $2.000000000e+00;
	v24 =	vsub.f32 v2, v4  }
.LBB2_3:
0x48: {  	v1 =	vld [tilespmem:s4+$0x20];
	v2 =	vsub.f32 v13, v28;
	v3 =	vsub.f32 v25, v11;
	vm3 =	vlt.f32 v16, $2.000000000e+00  }
0x49: {  	v5 =	vsub.f32 v26, v12;
	vm4 =	vlt.f32 v17, $2.000000000e+00;
	v16 =	vsub.f32 v11, v16;
	v4 =	vld [tilespmem:s4+$0x30]  }
0x4a: {  	v17 =	vsub.f32 v12, v17;
	v22 =	vsub.f32 v22, v10;
	vm5 =	vlt.f32 v15, $2.000000000e+00;
	v13 =	vld [tilespmem:s4+$0x0]  }
0x4b: {  	v25 =	vsub.f32 v31, v14;
	v15 =	vsub.f32 v10, v15;
	vm6 =	vlt.f32 v29, $2.000000000e+00;
	v11 =	vld [tilespmem:s4+$0x10]  }
0x4c: {  	v26 =	vsub.f32 v14, v29;
	vm7 =	vlt.f32 v19, $2.000000000e+00;
	v12 =	vld [tilespmem:s4+$0xFFFFFFE0];
	v23 =	vsub.f32 v23, v30  }
0x4d: {  	v28 =	vsel vm0, $0x3F800000, v0;
	v29 =	vsel vm1, $0x3F800000, v0;
	v19 =	vsub.f32 v30, v19;
	v10 =	vld [tilespmem:s4+$0xFFFFFFF0]  }
0x4e: {  	v31 =	vsel vm2, $0x3F800000, v0;
	s31 =	sadd.s32 $0x200, s31;
	v32 =	vsel vm3, $0x3F800000, v0;
	v30 =	vsel vm4, $0x3F800000, v0;
	v14 =	vld [tilespmem:s4+$0xFFFFFFC0]  }
0x4f: {  	v36 =	vsel vm5, $0x3F800000, v0;
	v34 =	vsel vm6, $0x3F800000, v0;
	v35 =	vsel vm7, $0x3F800000, v0;
	v33 =	vld [tilespmem:s31+$0x20]  }
0x50: {  	v18 =	vmax.f32 v18, v21;
	v20 =	vmax.f32 v20, v24;
	v2 =	vmax.f32 v27, v2;
	v37 =	vld [tilespmem:s31+$0x30]  }
0x51: {  	v5 =	vmax.f32 v5, v17;
	v3 =	vmax.f32 v3, v16;
	v24 =	vmax.f32 v25, v26;
	v21 =	vld [tilespmem:s31+$0x0]  }
0x52: {  	v15 =	vmax.f32 v22, v15;
	v17 =	vmax.f32 v24, $0.0e+00;
	v19 =	vmax.f32 v23, v19;
	v16 =	vld [tilespmem:s31+$0x10]  }
0x53: {  	v7 =	vadd.f32 v34, v7;
	v9 =	vadd.f32 v17, v9;
	v17 =	vmax.f32 v19, $0.0e+00;
	v22 =	vld [tilespmem:s31+$0xFFFFFFE0]  }
0x54: {  	v5 =	vmax.f32 v5, $0.0e+00;
	v6 =	vadd.f32 v35, v6;
	v8 =	vadd.f32 v17, v8;
	v19 =	vld [tilespmem:s31+$0xFFFFFFF0]  }
0x55: {  	v7 =	vadd.f32 v30, v7;
	v5 =	vadd.f32 v5, v9;
	v9 =	vmax.f32 v15, $0.0e+00;
	v23 =	vld [tilespmem:s31+$0xFFFFFFC0]  }
0x56: {  	v2 =	vmax.f32 v2, $0.0e+00;
	v6 =	vadd.f32 v36, v6;
	v8 =	vadd.f32 v9, v8;
	v24 =	vld [tilespmem:s31+$0xFFFFFFD0]  }
0x57: {  	v3 =	vmax.f32 v3, $0.0e+00;
	v2 =	vadd.f32 v2, v5;
	v5 =	vadd.f32 v31, v7;
	v27 =	vld.idx.msk [tilespmem:v33+s5+$0x0], $0xffff  }
0x58: {  	v6 =	vadd.f32 v32, v6;
	v7 =	vmax.f32 v18, $0.0e+00;
	v3 =	vadd.f32 v3, v8;
	v30 =	vld.idx.msk [tilespmem:v33+s15+$0x0], $0xffff  }
0x59: {  	v9 =	vadd.f32 v7, v2;
	v7 =	vadd.f32 v28, v5;
	v2 =	vmax.f32 v20, $0.0e+00;
	v32 =	vld.idx.msk [tilespmem:v37+s5+$0x0], $0xffff  }
0x5a: {  	s3 =	simm.s32 $0x1F0;
	s30 =	simm.s32 $0x11F0;
	v6 =	vadd.f32 v29, v6;
	v8 =	vadd.f32 v2, v3;
	v5 =	vld.idx.msk [tilespmem:v37+s15+$0x0], $0xffff  }
0x5b: {  	v2 =	vld.idx.msk [tilespmem:v21+s5+$0x0], $0xffff  }
0x5c: {  	v28 =	vld.idx.msk [tilespmem:v21+s15+$0x0], $0xffff  }
0x5d: {  	v25 =	vld.idx.msk [tilespmem:v16+s5+$0x0], $0xffff  }
0x5e: {  	v16 =	vld.idx.msk [tilespmem:v16+s15+$0x0], $0xffff  }
0x5f: {  	v26 =	vld.idx.msk [tilespmem:v22+s5+$0x0], $0xffff  }
0x60: {  	v17 =	vld.idx.msk [tilespmem:v22+s15+$0x0], $0xffff  }
0x61: {  	s0 =	sadd.s32 $0x80, s0;
	v22 =	vld.idx.msk [tilespmem:v19+s5+$0x0], $0xffff  }
0x62: {  	p0 =	slt.u32 s0, $0x180;
	v15 =	vld.idx.msk [tilespmem:v19+s15+$0x0], $0xffff  }
.Ltmp0:
0x63: {  	v31 =	vld.idx.msk [tilespmem:v23+s5+$0x0], $0xffff;
	(pc) =	sbr.rel @p0 .LBB2_3-.Ltmp0, $4  }
0x64: {  	v29 =	vld.idx.msk [tilespmem:v23+s15+$0x0], $0xffff  }
0x65: {  	v18 =	vsub.f32 v27, v1;
	vm0 =	vlt.f32 v30, $2.000000000e+00;
	v23 =	vld.idx.msk [tilespmem:v24+s5+$0x0], $0xffff  }
0x66: {  	v21 =	vsub.f32 v1, v30;
	v20 =	vsub.f32 v32, v4;
	vm1 =	vlt.f32 v5, $2.000000000e+00;
	v19 =	vld.idx.msk [tilespmem:v24+s15+$0x0], $0xffff  }
0x67: {  	v27 =	vsub.f32 v2, v13;
	vm2 =	vlt.f32 v28, $2.000000000e+00;
	v24 =	vsub.f32 v4, v5;
	v30 =	vld [tilespmem:s4+$0xFFFFFFD0];
	s4 =	sadd.s32 $0x200, s4  }
0x68: {  	v32 =	vld [tilespmem:s3+$0xFFFFFFF0]  }
0x69: {  	v33 =	vld [tilespmem:s3+$0x0]  }
0x6a: {  	v4 =	vld [tilespmem:s3+$0xFFFFFFD0]  }
0x6b: {  	v2 =	vld [tilespmem:s3+$0xFFFFFFE0]  }
0x6c: {  	v3 =	vld [tilespmem:s3+$0xFFFFFFB0]  }
0x6d: {  	v1 =	vld [tilespmem:s3+$0xFFFFFFC0]  }
0x6e: {  	v5 =	vld [tilespmem:s3+$0xFFFFFF90]  }
0x6f: {  	v34 =	vld [tilespmem:s30+$0xFFFFFFF0]  }
0x70: {  	v35 =	vld [tilespmem:s30+$0x0]  }
0x71: {  	v36 =	vld [tilespmem:s30+$0xFFFFFFD0]  }
0x72: {  	v13 =	vsub.f32 v13, v28;
	v28 =	vld [tilespmem:s30+$0xFFFFFFE0];
	v31 =	vsub.f32 v31, v14  }
0x73: {  	v25 =	vsub.f32 v25, v11;
	v26 =	vsub.f32 v26, v12;
	v38 =	vld [tilespmem:s30+$0xFFFFFF90]  }
0x74: {  	v11 =	vsub.f32 v11, v16;
	v37 =	vmax.f32 v18, v21;
	v18 =	vsub.f32 v22, v10;
	v22 =	vld [tilespmem:s30+$0xFFFFFFA0]  }
0x75: {  	v12 =	vsub.f32 v12, v17;
	vm3 =	vlt.f32 v29, $2.000000000e+00;
	v14 =	vsub.f32 v14, v29;
	v29 =	vld [tilespmem:s30+$0xFFFFFFB0]  }
0x76: {  	v10 =	vsub.f32 v10, v15;
	vm4 =	vlt.f32 v17, $2.000000000e+00;
	v13 =	vmax.f32 v27, v13;
	v27 =	vld [tilespmem:s30+$0xFFFFFFC0]  }
0x77: {  	v20 =	vmax.f32 v20, v24;
	v12 =	vmax.f32 v26, v12;
	v11 =	vmax.f32 v25, v11;
	v24 =	vld.idx.msk [tilespmem:v34+s5+$0x0], $0xffff  }
0x78: {  	v10 =	vmax.f32 v18, v10;
	v14 =	vmax.f32 v31, v14;
	vm5 =	vlt.f32 v19, $2.000000000e+00;
	v25 =	vld.idx.msk [tilespmem:v34+s15+$0x0], $0xffff  }
0x79: {  	v12 =	vmax.f32 v12, $0.0e+00;
	v21 =	vsub.f32 v23, v30;
	v23 =	vsub.f32 v30, v19;
	v31 =	vld.idx.msk [tilespmem:v35+s5+$0x0], $0xffff  }
0x7a: {  	v10 =	vmax.f32 v10, $0.0e+00;
	v14 =	vmax.f32 v14, $0.0e+00;
	v17 =	vsel vm5, $0x3F800000, v0;
	v62 =	vld.idx.msk [tilespmem:v35+s15+$0x0], $0xffff  }
0x7b: {  	v9 =	vadd.f32 v14, v9;
	v14 =	vsel vm3, $0x3F800000, v0;
	v21 =	vmax.f32 v21, v23;
	v63 =	vld.idx.msk [tilespmem:v36+s5+$0x0], $0xffff  }
0x7c: {  	v6 =	vadd.f32 v17, v6;
	v7 =	vadd.f32 v14, v7;
	v14 =	vmax.f32 v21, $0.0e+00;
	v19 =	vld.idx.msk [tilespmem:v36+s15+$0x0], $0xffff  }
0x7d: {  	vm3 =	vlt.f32 v15, $2.000000000e+00;
	v9 =	vadd.f32 v12, v9;
	v8 =	vadd.f32 v14, v8;
	v18 =	vld.idx.msk [tilespmem:v28+s5+$0x0], $0xffff  }
0x7e: {  	v12 =	vsel vm3, $0x3F800000, v0;
	vm3 =	vlt.f32 v16, $2.000000000e+00;
	v14 =	vsel vm4, $0x3F800000, v0;
	v15 =	vld.idx.msk [tilespmem:v28+s15+$0x0], $0xffff  }
0x7f: {  	v30 =	vld.idx.msk [tilespmem:v38+s15+$0x0], $0xffff;
	v7 =	vadd.f32 v14, v7;
	v8 =	vadd.f32 v10, v8;
	v10 =	vmax.f32 v13, $0.0e+00  }
0x80: {  	v6 =	vadd.f32 v12, v6;
	v26 =	vld.idx.msk [tilespmem:v22+s5+$0x0], $0xffff;
	v9 =	vadd.f32 v10, v9;
	v10 =	vsel vm2, $0x3F800000, v0  }
0x81: {  	v12 =	vsel vm3, $0x3F800000, v0;
	v23 =	vld.idx.msk [tilespmem:v29+s5+$0x0], $0xffff;
	v7 =	vadd.f32 v10, v7;
	v10 =	vmax.f32 v11, $0.0e+00  }
0x82: {  	v17 =	vld.idx.msk [tilespmem:v29+s15+$0x0], $0xffff;
	v6 =	vadd.f32 v12, v6;
	v11 =	vsel vm0, $0x3F800000, v0;
	v8 =	vadd.f32 v10, v8  }
0x83: {  	v21 =	vld.idx.msk [tilespmem:v27+s5+$0x0], $0xffff;
	v10 =	vmax.f32 v37, $0.0e+00;
	vm0 =	vlt.f32 v25, $2.000000000e+00;
	v25 =	vsub.f32 v32, v25  }
0x84: {  	v16 =	vld.idx.msk [tilespmem:v27+s15+$0x0], $0xffff;
	v28 =	vsub.f32 v63, v4;
	vm2 =	vlt.f32 v19, $2.000000000e+00;
	v27 =	vsub.f32 v33, v62  }
0x85: {  	v22 =	vld.idx.msk [tilespmem:v22+s15+$0x0], $0xffff;
	v14 =	vadd.f32 v10, v9;
	v9 =	vmax.f32 v20, $0.0e+00;
	v12 =	vadd.f32 v11, v7  }
0x86: {  	v29 =	vld.idx.msk [tilespmem:v38+s5+$0x0], $0xffff;
	v7 =	vsel vm1, $0x3F800000, v0;
	v20 =	vsub.f32 v24, v32;
	v24 =	vsub.f32 v31, v33  }
0x87: {  	s0 =	simm.s32 $0x0;
	s4 =	simm.s32 $0x3F0;
	vm1 =	vlt.f32 v62, $2.000000000e+00;
	v31 =	vld [tilespmem:s3+$0xFFFFFFA0];
	v11 =	vadd.f32 v9, v8;
	v13 =	vadd.f32 v7, v6  }
.LBB2_5:
0x88: {  	v6 =	vld [tilespmem:s4+$0xFFFFFFF0];
	v7 =	vsub.f32 v4, v19;
	v8 =	vsub.f32 v18, v2;
	vm3 =	vlt.f32 v15, $2.000000000e+00  }
0x89: {  	v10 =	vsub.f32 v23, v3;
	vm4 =	vlt.f32 v17, $2.000000000e+00;
	v15 =	vsub.f32 v2, v15;
	v9 =	vld [tilespmem:s4+$0x0]  }
0x8a: {  	v17 =	vsub.f32 v3, v17;
	v18 =	vsub.f32 v21, v1;
	vm5 =	vlt.f32 v16, $2.000000000e+00;
	v4 =	vld [tilespmem:s4+$0xFFFFFFD0]  }
0x8b: {  	v19 =	vsub.f32 v29, v5;
	v16 =	vsub.f32 v1, v16;
	vm6 =	vlt.f32 v30, $2.000000000e+00;
	v2 =	vld [tilespmem:s4+$0xFFFFFFE0]  }
0x8c: {  	v21 =	vsub.f32 v5, v30;
	vm7 =	vlt.f32 v22, $2.000000000e+00;
	v3 =	vld [tilespmem:s4+$0xFFFFFFB0];
	v23 =	vsub.f32 v26, v31  }
0x8d: {  	v29 =	vsel vm1, $0x3F800000, v0;
	v22 =	vsub.f32 v31, v22;
	v26 =	vsel vm0, $0x3F800000, v0;
	v1 =	vld [tilespmem:s4+$0xFFFFFFC0]  }
0x8e: {  	s30 =	sadd.s32 $0x200, s30;
	v30 =	vsel vm4, $0x3F800000, v0;
	v32 =	vsel vm3, $0x3F800000, v0;
	v31 =	vsel vm2, $0x3F800000, v0;
	v5 =	vld [tilespmem:s4+$0xFFFFFF90]  }
0x8f: {  	v36 =	vsel vm5, $0x3F800000, v0;
	v34 =	vsel vm6, $0x3F800000, v0;
	v35 =	vsel vm7, $0x3F800000, v0;
	v33 =	vld [tilespmem:s30+$0xFFFFFFF0]  }
0x90: {  	v20 =	vmax.f32 v20, v25;
	v24 =	vmax.f32 v24, v27;
	v7 =	vmax.f32 v28, v7;
	v37 =	vld [tilespmem:s30+$0x0]  }
0x91: {  	v10 =	vmax.f32 v10, v17;
	v8 =	vmax.f32 v8, v15;
	v19 =	vmax.f32 v19, v21;
	v25 =	vld [tilespmem:s30+$0xFFFFFFD0]  }
0x92: {  	v16 =	vmax.f32 v18, v16;
	v17 =	vmax.f32 v19, $0.0e+00;
	v19 =	vmax.f32 v23, v22;
	v15 =	vld [tilespmem:s30+$0xFFFFFFE0]  }
0x93: {  	v12 =	vadd.f32 v34, v12;
	v14 =	vadd.f32 v17, v14;
	v17 =	vmax.f32 v19, $0.0e+00;
	v21 =	vld [tilespmem:s30+$0xFFFFFFB0]  }
0x94: {  	v10 =	vmax.f32 v10, $0.0e+00;
	v13 =	vadd.f32 v35, v13;
	v11 =	vadd.f32 v17, v11;
	v22 =	vld [tilespmem:s30+$0xFFFFFFC0]  }
0x95: {  	v12 =	vadd.f32 v30, v12;
	v10 =	vadd.f32 v10, v14;
	v14 =	vmax.f32 v16, $0.0e+00;
	v27 =	vld [tilespmem:s30+$0xFFFFFF90]  }
0x96: {  	v7 =	vmax.f32 v7, $0.0e+00;
	v13 =	vadd.f32 v36, v13;
	v11 =	vadd.f32 v14, v11;
	v28 =	vld [tilespmem:s30+$0xFFFFFFA0]  }
0x97: {  	v8 =	vmax.f32 v8, $0.0e+00;
	v7 =	vadd.f32 v7, v10;
	v10 =	vadd.f32 v31, v12;
	v34 =	vld.idx.msk [tilespmem:v33+s5+$0x0], $0xffff  }
0x98: {  	v13 =	vadd.f32 v32, v13;
	v8 =	vadd.f32 v8, v11;
	v11 =	vmax.f32 v20, $0.0e+00;
	v31 =	vld.idx.msk [tilespmem:v33+s15+$0x0], $0xffff  }
0x99: {  	v12 =	vadd.f32 v26, v10;
	v14 =	vadd.f32 v11, v7;
	v7 =	vmax.f32 v24, $0.0e+00;
	v32 =	vld.idx.msk [tilespmem:v37+s5+$0x0], $0xffff  }
0x9a: {  	s3 =	simm.s32 $0x270;
	s31 =	simm.s32 $0x1270;
	v13 =	vadd.f32 v29, v13;
	v11 =	vadd.f32 v7, v8;
	v10 =	vld.idx.msk [tilespmem:v37+s15+$0x0], $0xffff  }
0x9b: {  	v7 =	vld.idx.msk [tilespmem:v25+s5+$0x0], $0xffff  }
0x9c: {  	v19 =	vld.idx.msk [tilespmem:v25+s15+$0x0], $0xffff  }
0x9d: {  	v18 =	vld.idx.msk [tilespmem:v15+s5+$0x0], $0xffff  }
0x9e: {  	v15 =	vld.idx.msk [tilespmem:v15+s15+$0x0], $0xffff  }
0x9f: {  	v23 =	vld.idx.msk [tilespmem:v21+s5+$0x0], $0xffff  }
0xa0: {  	v17 =	vld.idx.msk [tilespmem:v21+s15+$0x0], $0xffff  }
0xa1: {  	s0 =	sadd.s32 $0x80, s0;
	v21 =	vld.idx.msk [tilespmem:v22+s5+$0x0], $0xffff  }
0xa2: {  	p0 =	slt.u32 s0, $0x180;
	v16 =	vld.idx.msk [tilespmem:v22+s15+$0x0], $0xffff  }
.Ltmp1:
0xa3: {  	v29 =	vld.idx.msk [tilespmem:v27+s5+$0x0], $0xffff;
	(pc) =	sbr.rel @p0 .LBB2_5-.Ltmp1, $4  }
0xa4: {  	v30 =	vld.idx.msk [tilespmem:v27+s15+$0x0], $0xffff  }
0xa5: {  	v20 =	vsub.f32 v34, v6;
	vm0 =	vlt.f32 v31, $2.000000000e+00;
	v26 =	vld.idx.msk [tilespmem:v28+s5+$0x0], $0xffff  }
0xa6: {  	v25 =	vsub.f32 v6, v31;
	v24 =	vsub.f32 v32, v9;
	vm1 =	vlt.f32 v10, $2.000000000e+00;
	v22 =	vld.idx.msk [tilespmem:v28+s15+$0x0], $0xffff  }
0xa7: {  	vm2 =	vlt.f32 v19, $2.000000000e+00;
	v27 =	vsub.f32 v9, v10;
	v28 =	vsub.f32 v7, v4;
	v31 =	vld [tilespmem:s4+$0xFFFFFFA0];
	s4 =	sadd.s32 $0x200, s4  }
0xa8: {  	v32 =	vld [tilespmem:s3+$0xFFFFFFF0]  }
0xa9: {  	v33 =	vld [tilespmem:s3+$0x0]  }
0xaa: {  	v9 =	vld [tilespmem:s3+$0xFFFFFFD0]  }
0xab: {  	v7 =	vld [tilespmem:s3+$0xFFFFFFE0]  }
0xac: {  	v8 =	vld [tilespmem:s3+$0xFFFFFFB0]  }
0xad: {  	v6 =	vld [tilespmem:s3+$0xFFFFFFC0]  }
0xae: {  	v10 =	vld [tilespmem:s3+$0xFFFFFF90]  }
0xaf: {  	v34 =	vld [tilespmem:s31+$0xFFFFFFF0]  }
0xb0: {  	v35 =	vld [tilespmem:s31+$0x0]  }
0xb1: {  	v36 =	vld [tilespmem:s31+$0xFFFFFFD0]  }
0xb2: {  	v4 =	vsub.f32 v4, v19;
	v37 =	vld [tilespmem:s31+$0xFFFFFFE0];
	v19 =	vsub.f32 v29, v5  }
0xb3: {  	v29 =	vld [tilespmem:s31+$0xFFFFFFB0];
	v18 =	vsub.f32 v18, v2;
	v23 =	vsub.f32 v23, v3  }
0xb4: {  	v2 =	vsub.f32 v2, v15;
	v3 =	vsub.f32 v3, v17;
	v20 =	vmax.f32 v20, v25;
	v25 =	vld [tilespmem:s31+$0xFFFFFF90]  }
0xb5: {  	v21 =	vsub.f32 v21, v1;
	v1 =	vsub.f32 v1, v16;
	v24 =	vmax.f32 v24, v27;
	v27 =	vld [tilespmem:s31+$0xFFFFFFA0]  }
0xb6: {  	vm4 =	vlt.f32 v17, $2.000000000e+00;
	v5 =	vsub.f32 v5, v30;
	v4 =	vmax.f32 v28, v4;
	v28 =	vld [tilespmem:s31+$0xFFFFFFC0]  }
0xb7: {  	vm3 =	vlt.f32 v30, $2.000000000e+00;
	v26 =	vsub.f32 v26, v31;
	v30 =	vsub.f32 v31, v22;
	v31 =	vld.idx.msk [tilespmem:v34+s5+$0x0], $0xffff  }
0xb8: {  	v3 =	vmax.f32 v23, v3;
	v2 =	vmax.f32 v18, v2;
	v1 =	vmax.f32 v21, v1;
	v34 =	vld.idx.msk [tilespmem:v34+s15+$0x0], $0xffff  }
0xb9: {  	v5 =	vmax.f32 v19, v5;
	vm5 =	vlt.f32 v22, $2.000000000e+00;
	v3 =	vmax.f32 v3, $0.0e+00;
	v38 =	vld.idx.msk [tilespmem:v35+s5+$0x0], $0xffff  }
0xba: {  	v1 =	vmax.f32 v1, $0.0e+00;
	v4 =	vmax.f32 v4, $0.0e+00;
	v5 =	vmax.f32 v5, $0.0e+00;
	v35 =	vld.idx.msk [tilespmem:v35+s15+$0x0], $0xffff  }
0xbb: {  	v5 =	vadd.f32 v5, v14;
	v14 =	vsel vm3, $0x3F800000, v0;
	v18 =	vmax.f32 v26, v30;
	v39 =	vld.idx.msk [tilespmem:v36+s5+$0x0], $0xffff  }
0xbc: {  	v17 =	vsel vm5, $0x3F800000, v0;
	v12 =	vadd.f32 v14, v12;
	v14 =	vmax.f32 v18, $0.0e+00;
	v19 =	vld.idx.msk [tilespmem:v36+s15+$0x0], $0xffff  }
0xbd: {  	v3 =	vadd.f32 v3, v5;
	v11 =	vadd.f32 v14, v11;
	v14 =	vsel vm4, $0x3F800000, v0;
	v18 =	vld.idx.msk [tilespmem:v37+s5+$0x0], $0xffff  }
0xbe: {  	v13 =	vadd.f32 v17, v13;
	vm3 =	vlt.f32 v16, $2.000000000e+00;
	v16 =	vld.idx.msk [tilespmem:v37+s15+$0x0], $0xffff;
	v5 =	vadd.f32 v14, v12  }
0xbf: {  	v23 =	vld.idx.msk [tilespmem:v29+s5+$0x0], $0xffff;
	v12 =	vsel vm3, $0x3F800000, v0;
	v3 =	vadd.f32 v4, v3;
	vm3 =	vlt.f32 v15, $2.000000000e+00  }
0xc0: {  	v17 =	vld.idx.msk [tilespmem:v29+s15+$0x0], $0xffff;
	v4 =	vsel vm2, $0x3F800000, v0;
	v1 =	vadd.f32 v1, v11;
	v11 =	vadd.f32 v12, v13  }
0xc1: {  	v2 =	vmax.f32 v2, $0.0e+00;
	v29 =	vld.idx.msk [tilespmem:v25+s5+$0x0], $0xffff;
	v12 =	vsel vm3, $0x3F800000, v0;
	v4 =	vadd.f32 v4, v5  }
0xc2: {  	v30 =	vld.idx.msk [tilespmem:v25+s15+$0x0], $0xffff;
	v5 =	vmax.f32 v20, $0.0e+00;
	v1 =	vadd.f32 v2, v1;
	v2 =	vadd.f32 v12, v11  }
0xc3: {  	v26 =	vld.idx.msk [tilespmem:v27+s5+$0x0], $0xffff;
	v11 =	vsel vm0, $0x3F800000, v0;
	v14 =	vadd.f32 v5, v3;
	v3 =	vmax.f32 v24, $0.0e+00  }
0xc4: {  	v21 =	vld.idx.msk [tilespmem:v28+s5+$0x0], $0xffff;
	v12 =	vadd.f32 v11, v4;
	v4 =	vsel vm1, $0x3F800000, v0;
	v20 =	vsub.f32 v31, v32  }
0xc5: {  	v15 =	vld.idx.msk [tilespmem:v28+s15+$0x0], $0xffff;
	vm0 =	vlt.f32 v34, $2.000000000e+00;
	v25 =	vsub.f32 v32, v34;
	v24 =	vsub.f32 v38, v33  }
0xc6: {  	v22 =	vld.idx.msk [tilespmem:v27+s15+$0x0], $0xffff;
	vm1 =	vlt.f32 v35, $2.000000000e+00;
	v28 =	vsub.f32 v39, v9;
	v27 =	vsub.f32 v33, v35  }
0xc7: {  	s0 =	simm.s32 $0x0;
	s4 =	simm.s32 $0x470;
	v31 =	vld [tilespmem:s3+$0xFFFFFFA0];
	vm2 =	vlt.f32 v19, $2.000000000e+00;
	v11 =	vadd.f32 v3, v1;
	v13 =	vadd.f32 v4, v2  }
.LBB2_7:
0xc8: {  	v1 =	vld [tilespmem:s4+$0xFFFFFFF0];
	v2 =	vsub.f32 v9, v19;
	v3 =	vsub.f32 v18, v7;
	vm3 =	vlt.f32 v16, $2.000000000e+00  }
0xc9: {  	v5 =	vsub.f32 v23, v8;
	vm4 =	vlt.f32 v17, $2.000000000e+00;
	v16 =	vsub.f32 v7, v16;
	v4 =	vld [tilespmem:s4+$0x0]  }
0xca: {  	v17 =	vsub.f32 v8, v17;
	v18 =	vsub.f32 v21, v6;
	vm5 =	vlt.f32 v15, $2.000000000e+00;
	v9 =	vld [tilespmem:s4+$0xFFFFFFD0]  }
0xcb: {  	v19 =	vsub.f32 v29, v10;
	v15 =	vsub.f32 v6, v15;
	vm6 =	vlt.f32 v30, $2.000000000e+00;
	v7 =	vld [tilespmem:s4+$0xFFFFFFE0]  }
0xcc: {  	v21 =	vsub.f32 v10, v30;
	vm7 =	vlt.f32 v22, $2.000000000e+00;
	v8 =	vld [tilespmem:s4+$0xFFFFFFB0];
	v23 =	vsub.f32 v26, v31  }
0xcd: {  	v29 =	vsel vm1, $0x3F800000, v0;
	v22 =	vsub.f32 v31, v22;
	v26 =	vsel vm0, $0x3F800000, v0;
	v6 =	vld [tilespmem:s4+$0xFFFFFFC0]  }
0xce: {  	s31 =	sadd.s32 $0x200, s31;
	v30 =	vsel vm4, $0x3F800000, v0;
	v32 =	vsel vm3, $0x3F800000, v0;
	v31 =	vsel vm2, $0x3F800000, v0;
	v10 =	vld [tilespmem:s4+$0xFFFFFF90]  }
0xcf: {  	v36 =	vsel vm5, $0x3F800000, v0;
	v34 =	vsel vm6, $0x3F800000, v0;
	v35 =	vsel vm7, $0x3F800000, v0;
	v33 =	vld [tilespmem:s31+$0xFFFFFFF0]  }
0xd0: {  	v20 =	vmax.f32 v20, v25;
	v24 =	vmax.f32 v24, v27;
	v2 =	vmax.f32 v28, v2;
	v37 =	vld [tilespmem:s31+$0x0]  }
0xd1: {  	v5 =	vmax.f32 v5, v17;
	v3 =	vmax.f32 v3, v16;
	v19 =	vmax.f32 v19, v21;
	v25 =	vld [tilespmem:s31+$0xFFFFFFD0]  }
0xd2: {  	v15 =	vmax.f32 v18, v15;
	v17 =	vmax.f32 v19, $0.0e+00;
	v19 =	vmax.f32 v23, v22;
	v16 =	vld [tilespmem:s31+$0xFFFFFFE0]  }
0xd3: {  	v12 =	vadd.f32 v34, v12;
	v14 =	vadd.f32 v17, v14;
	v17 =	vmax.f32 v19, $0.0e+00;
	v21 =	vld [tilespmem:s31+$0xFFFFFFB0]  }
0xd4: {  	v5 =	vmax.f32 v5, $0.0e+00;
	v13 =	vadd.f32 v35, v13;
	v11 =	vadd.f32 v17, v11;
	v22 =	vld [tilespmem:s31+$0xFFFFFFC0]  }
0xd5: {  	v12 =	vadd.f32 v30, v12;
	v5 =	vadd.f32 v5, v14;
	v14 =	vmax.f32 v15, $0.0e+00;
	v27 =	vld [tilespmem:s31+$0xFFFFFF90]  }
0xd6: {  	v2 =	vmax.f32 v2, $0.0e+00;
	v13 =	vadd.f32 v36, v13;
	v11 =	vadd.f32 v14, v11;
	v28 =	vld [tilespmem:s31+$0xFFFFFFA0]  }
0xd7: {  	v3 =	vmax.f32 v3, $0.0e+00;
	v2 =	vadd.f32 v2, v5;
	v5 =	vadd.f32 v31, v12;
	v34 =	vld.idx.msk [tilespmem:v33+s5+$0x0], $0xffff  }
0xd8: {  	v13 =	vadd.f32 v32, v13;
	v3 =	vadd.f32 v3, v11;
	v11 =	vmax.f32 v20, $0.0e+00;
	v31 =	vld.idx.msk [tilespmem:v33+s15+$0x0], $0xffff  }
0xd9: {  	v12 =	vadd.f32 v26, v5;
	v14 =	vadd.f32 v11, v2;
	v2 =	vmax.f32 v24, $0.0e+00;
	v32 =	vld.idx.msk [tilespmem:v37+s5+$0x0], $0xffff  }
0xda: {  	s3 =	simm.s32 $0x2F0;
	s30 =	simm.s32 $0x12F0;
	v13 =	vadd.f32 v29, v13;
	v11 =	vadd.f32 v2, v3;
	v5 =	vld.idx.msk [tilespmem:v37+s15+$0x0], $0xffff  }
0xdb: {  	v2 =	vld.idx.msk [tilespmem:v25+s5+$0x0], $0xffff  }
0xdc: {  	v19 =	vld.idx.msk [tilespmem:v25+s15+$0x0], $0xffff  }
0xdd: {  	v18 =	vld.idx.msk [tilespmem:v16+s5+$0x0], $0xffff  }
0xde: {  	v16 =	vld.idx.msk [tilespmem:v16+s15+$0x0], $0xffff  }
0xdf: {  	v23 =	vld.idx.msk [tilespmem:v21+s5+$0x0], $0xffff  }
0xe0: {  	v17 =	vld.idx.msk [tilespmem:v21+s15+$0x0], $0xffff  }
0xe1: {  	s0 =	sadd.s32 $0x80, s0;
	v21 =	vld.idx.msk [tilespmem:v22+s5+$0x0], $0xffff  }
0xe2: {  	p0 =	slt.u32 s0, $0x180;
	v15 =	vld.idx.msk [tilespmem:v22+s15+$0x0], $0xffff  }
.Ltmp2:
0xe3: {  	v29 =	vld.idx.msk [tilespmem:v27+s5+$0x0], $0xffff;
	(pc) =	sbr.rel @p0 .LBB2_7-.Ltmp2, $4  }
0xe4: {  	v30 =	vld.idx.msk [tilespmem:v27+s15+$0x0], $0xffff  }
0xe5: {  	v20 =	vsub.f32 v34, v1;
	vm0 =	vlt.f32 v31, $2.000000000e+00;
	v26 =	vld.idx.msk [tilespmem:v28+s5+$0x0], $0xffff  }
0xe6: {  	v25 =	vsub.f32 v1, v31;
	v24 =	vsub.f32 v32, v4;
	vm1 =	vlt.f32 v5, $2.000000000e+00;
	v22 =	vld.idx.msk [tilespmem:v28+s15+$0x0], $0xffff  }
0xe7: {  	vm2 =	vlt.f32 v19, $2.000000000e+00;
	v27 =	vsub.f32 v4, v5;
	v28 =	vsub.f32 v2, v9;
	v31 =	vld [tilespmem:s4+$0xFFFFFFA0];
	s4 =	sadd.s32 $0x200, s4  }
0xe8: {  	v32 =	vld [tilespmem:s3+$0xFFFFFFF0]  }
0xe9: {  	v33 =	vld [tilespmem:s3+$0x0]  }
0xea: {  	v4 =	vld [tilespmem:s3+$0xFFFFFFD0]  }
0xeb: {  	v2 =	vld [tilespmem:s3+$0xFFFFFFE0]  }
0xec: {  	v3 =	vld [tilespmem:s3+$0xFFFFFFB0]  }
0xed: {  	v1 =	vld [tilespmem:s3+$0xFFFFFFC0]  }
0xee: {  	v5 =	vld [tilespmem:s3+$0xFFFFFF90]  }
0xef: {  	v34 =	vld [tilespmem:s30+$0xFFFFFFF0]  }
0xf0: {  	v35 =	vld [tilespmem:s30+$0x0]  }
0xf1: {  	v36 =	vld [tilespmem:s30+$0xFFFFFFD0]  }
0xf2: {  	v9 =	vsub.f32 v9, v19;
	v37 =	vld [tilespmem:s30+$0xFFFFFFE0];
	v19 =	vsub.f32 v29, v10  }
0xf3: {  	v29 =	vld [tilespmem:s30+$0xFFFFFFB0];
	v18 =	vsub.f32 v18, v7;
	v23 =	vsub.f32 v23, v8  }
0xf4: {  	v7 =	vsub.f32 v7, v16;
	v8 =	vsub.f32 v8, v17;
	v20 =	vmax.f32 v20, v25;
	v25 =	vld [tilespmem:s30+$0xFFFFFF90]  }
0xf5: {  	v21 =	vsub.f32 v21, v6;
	v6 =	vsub.f32 v6, v15;
	v24 =	vmax.f32 v24, v27;
	v27 =	vld [tilespmem:s30+$0xFFFFFFA0]  }
0xf6: {  	vm4 =	vlt.f32 v17, $2.000000000e+00;
	v10 =	vsub.f32 v10, v30;
	v9 =	vmax.f32 v28, v9;
	v28 =	vld [tilespmem:s30+$0xFFFFFFC0]  }
0xf7: {  	vm3 =	vlt.f32 v30, $2.000000000e+00;
	v26 =	vsub.f32 v26, v31;
	v30 =	vsub.f32 v31, v22;
	v31 =	vld.idx.msk [tilespmem:v34+s5+$0x0], $0xffff  }
0xf8: {  	v8 =	vmax.f32 v23, v8;
	v7 =	vmax.f32 v18, v7;
	v6 =	vmax.f32 v21, v6;
	v34 =	vld.idx.msk [tilespmem:v34+s15+$0x0], $0xffff  }
0xf9: {  	v10 =	vmax.f32 v19, v10;
	vm5 =	vlt.f32 v22, $2.000000000e+00;
	v8 =	vmax.f32 v8, $0.0e+00;
	v38 =	vld.idx.msk [tilespmem:v35+s5+$0x0], $0xffff  }
0xfa: {  	v6 =	vmax.f32 v6, $0.0e+00;
	v9 =	vmax.f32 v9, $0.0e+00;
	v10 =	vmax.f32 v10, $0.0e+00;
	v35 =	vld.idx.msk [tilespmem:v35+s15+$0x0], $0xffff  }
0xfb: {  	v10 =	vadd.f32 v10, v14;
	v14 =	vsel vm3, $0x3F800000, v0;
	v18 =	vmax.f32 v26, v30;
	v39 =	vld.idx.msk [tilespmem:v36+s5+$0x0], $0xffff  }
0xfc: {  	v17 =	vsel vm5, $0x3F800000, v0;
	v12 =	vadd.f32 v14, v12;
	v14 =	vmax.f32 v18, $0.0e+00;
	v19 =	vld.idx.msk [tilespmem:v36+s15+$0x0], $0xffff  }
0xfd: {  	v8 =	vadd.f32 v8, v10;
	v11 =	vadd.f32 v14, v11;
	v14 =	vsel vm4, $0x3F800000, v0;
	v18 =	vld.idx.msk [tilespmem:v37+s5+$0x0], $0xffff  }
0xfe: {  	v13 =	vadd.f32 v17, v13;
	vm3 =	vlt.f32 v15, $2.000000000e+00;
	v15 =	vld.idx.msk [tilespmem:v37+s15+$0x0], $0xffff;
	v10 =	vadd.f32 v14, v12  }
0xff: {  	v23 =	vld.idx.msk [tilespmem:v29+s5+$0x0], $0xffff;
	v12 =	vsel vm3, $0x3F800000, v0;
	v8 =	vadd.f32 v9, v8;
	vm3 =	vlt.f32 v16, $2.000000000e+00  }
0x100: {  	v17 =	vld.idx.msk [tilespmem:v29+s15+$0x0], $0xffff;
	v9 =	vsel vm2, $0x3F800000, v0;
	v6 =	vadd.f32 v6, v11;
	v11 =	vadd.f32 v12, v13  }
0x101: {  	v7 =	vmax.f32 v7, $0.0e+00;
	v29 =	vld.idx.msk [tilespmem:v25+s5+$0x0], $0xffff;
	v12 =	vsel vm3, $0x3F800000, v0;
	v9 =	vadd.f32 v9, v10  }
0x102: {  	v30 =	vld.idx.msk [tilespmem:v25+s15+$0x0], $0xffff;
	v10 =	vmax.f32 v20, $0.0e+00;
	v6 =	vadd.f32 v7, v6;
	v7 =	vadd.f32 v12, v11  }
0x103: {  	v26 =	vld.idx.msk [tilespmem:v27+s5+$0x0], $0xffff;
	v11 =	vsel vm0, $0x3F800000, v0;
	v14 =	vadd.f32 v10, v8;
	v8 =	vmax.f32 v24, $0.0e+00  }
0x104: {  	v21 =	vld.idx.msk [tilespmem:v28+s5+$0x0], $0xffff;
	v12 =	vadd.f32 v11, v9;
	v9 =	vsel vm1, $0x3F800000, v0;
	v20 =	vsub.f32 v31, v32  }
0x105: {  	v16 =	vld.idx.msk [tilespmem:v28+s15+$0x0], $0xffff;
	vm0 =	vlt.f32 v34, $2.000000000e+00;
	v25 =	vsub.f32 v32, v34;
	v24 =	vsub.f32 v38, v33  }
0x106: {  	v22 =	vld.idx.msk [tilespmem:v27+s15+$0x0], $0xffff;
	vm1 =	vlt.f32 v35, $2.000000000e+00;
	v28 =	vsub.f32 v39, v4;
	v27 =	vsub.f32 v33, v35  }
0x107: {  	s0 =	simm.s32 $0x0;
	s4 =	simm.s32 $0x4F0;
	v31 =	vld [tilespmem:s3+$0xFFFFFFA0];
	vm2 =	vlt.f32 v19, $2.000000000e+00;
	v11 =	vadd.f32 v8, v6;
	v13 =	vadd.f32 v9, v7  }
.LBB2_9:
0x108: {  	v6 =	vld [tilespmem:s4+$0xFFFFFFF0];
	v7 =	vsub.f32 v4, v19;
	v8 =	vsub.f32 v18, v2;
	vm3 =	vlt.f32 v15, $2.000000000e+00  }
0x109: {  	v10 =	vsub.f32 v23, v3;
	vm4 =	vlt.f32 v17, $2.000000000e+00;
	v15 =	vsub.f32 v2, v15;
	v9 =	vld [tilespmem:s4+$0x0]  }
0x10a: {  	v17 =	vsub.f32 v3, v17;
	v18 =	vsub.f32 v21, v1;
	vm5 =	vlt.f32 v16, $2.000000000e+00;
	v4 =	vld [tilespmem:s4+$0xFFFFFFD0]  }
0x10b: {  	v19 =	vsub.f32 v29, v5;
	v16 =	vsub.f32 v1, v16;
	vm6 =	vlt.f32 v30, $2.000000000e+00;
	v2 =	vld [tilespmem:s4+$0xFFFFFFE0]  }
0x10c: {  	v21 =	vsub.f32 v5, v30;
	vm7 =	vlt.f32 v22, $2.000000000e+00;
	v3 =	vld [tilespmem:s4+$0xFFFFFFB0];
	v23 =	vsub.f32 v26, v31  }
0x10d: {  	v29 =	vsel vm1, $0x3F800000, v0;
	v22 =	vsub.f32 v31, v22;
	v26 =	vsel vm0, $0x3F800000, v0;
	v1 =	vld [tilespmem:s4+$0xFFFFFFC0]  }
0x10e: {  	s30 =	sadd.s32 $0x200, s30;
	v30 =	vsel vm4, $0x3F800000, v0;
	v32 =	vsel vm3, $0x3F800000, v0;
	v31 =	vsel vm2, $0x3F800000, v0;
	v5 =	vld [tilespmem:s4+$0xFFFFFF90]  }
0x10f: {  	v36 =	vsel vm5, $0x3F800000, v0;
	v34 =	vsel vm6, $0x3F800000, v0;
	v35 =	vsel vm7, $0x3F800000, v0;
	v33 =	vld [tilespmem:s30+$0xFFFFFFF0]  }
0x110: {  	v20 =	vmax.f32 v20, v25;
	v24 =	vmax.f32 v24, v27;
	v7 =	vmax.f32 v28, v7;
	v37 =	vld [tilespmem:s30+$0x0]  }
0x111: {  	v10 =	vmax.f32 v10, v17;
	v8 =	vmax.f32 v8, v15;
	v19 =	vmax.f32 v19, v21;
	v25 =	vld [tilespmem:s30+$0xFFFFFFD0]  }
0x112: {  	v16 =	vmax.f32 v18, v16;
	v17 =	vmax.f32 v19, $0.0e+00;
	v19 =	vmax.f32 v23, v22;
	v15 =	vld [tilespmem:s30+$0xFFFFFFE0]  }
0x113: {  	v12 =	vadd.f32 v34, v12;
	v14 =	vadd.f32 v17, v14;
	v17 =	vmax.f32 v19, $0.0e+00;
	v21 =	vld [tilespmem:s30+$0xFFFFFFB0]  }
0x114: {  	v10 =	vmax.f32 v10, $0.0e+00;
	v13 =	vadd.f32 v35, v13;
	v11 =	vadd.f32 v17, v11;
	v22 =	vld [tilespmem:s30+$0xFFFFFFC0]  }
0x115: {  	v12 =	vadd.f32 v30, v12;
	v10 =	vadd.f32 v10, v14;
	v14 =	vmax.f32 v16, $0.0e+00;
	v27 =	vld [tilespmem:s30+$0xFFFFFF90]  }
0x116: {  	v7 =	vmax.f32 v7, $0.0e+00;
	v13 =	vadd.f32 v36, v13;
	v11 =	vadd.f32 v14, v11;
	v28 =	vld [tilespmem:s30+$0xFFFFFFA0]  }
0x117: {  	v8 =	vmax.f32 v8, $0.0e+00;
	v7 =	vadd.f32 v7, v10;
	v10 =	vadd.f32 v31, v12;
	v34 =	vld.idx.msk [tilespmem:v33+s5+$0x0], $0xffff  }
0x118: {  	v13 =	vadd.f32 v32, v13;
	v8 =	vadd.f32 v8, v11;
	v11 =	vmax.f32 v20, $0.0e+00;
	v31 =	vld.idx.msk [tilespmem:v33+s15+$0x0], $0xffff  }
0x119: {  	v12 =	vadd.f32 v26, v10;
	v14 =	vadd.f32 v11, v7;
	v7 =	vmax.f32 v24, $0.0e+00;
	v32 =	vld.idx.msk [tilespmem:v37+s5+$0x0], $0xffff  }
0x11a: {  	v13 =	vadd.f32 v29, v13;
	v11 =	vadd.f32 v7, v8;
	v10 =	vld.idx.msk [tilespmem:v37+s15+$0x0], $0xffff  }
0x11b: {  	v7 =	vld.idx.msk [tilespmem:v25+s5+$0x0], $0xffff  }
0x11c: {  	v19 =	vld.idx.msk [tilespmem:v25+s15+$0x0], $0xffff  }
0x11d: {  	v18 =	vld.idx.msk [tilespmem:v15+s5+$0x0], $0xffff  }
0x11e: {  	v15 =	vld.idx.msk [tilespmem:v15+s15+$0x0], $0xffff  }
0x11f: {  	v23 =	vld.idx.msk [tilespmem:v21+s5+$0x0], $0xffff  }
0x120: {  	v17 =	vld.idx.msk [tilespmem:v21+s15+$0x0], $0xffff  }
0x121: {  	s0 =	sadd.s32 $0x80, s0;
	v21 =	vld.idx.msk [tilespmem:v22+s5+$0x0], $0xffff  }
0x122: {  	p0 =	slt.u32 s0, $0x180;
	v16 =	vld.idx.msk [tilespmem:v22+s15+$0x0], $0xffff  }
.Ltmp3:
0x123: {  	v29 =	vld.idx.msk [tilespmem:v27+s5+$0x0], $0xffff;
	(pc) =	sbr.rel @p0 .LBB2_9-.Ltmp3, $4  }
0x124: {  	v30 =	vld.idx.msk [tilespmem:v27+s15+$0x0], $0xffff  }
0x125: {  	v20 =	vsub.f32 v34, v6;
	vm0 =	vlt.f32 v31, $2.000000000e+00;
	v26 =	vld.idx.msk [tilespmem:v28+s5+$0x0], $0xffff  }
0x126: {  	v25 =	vsub.f32 v6, v31;
	v24 =	vsub.f32 v32, v9;
	vm1 =	vlt.f32 v10, $2.000000000e+00;
	v22 =	vld.idx.msk [tilespmem:v28+s15+$0x0], $0xffff  }
0x127: {  	vm2 =	vlt.f32 v19, $2.000000000e+00;
	v27 =	vsub.f32 v9, v10;
	v28 =	vsub.f32 v7, v4;
	v31 =	vld [tilespmem:s4+$0xFFFFFFA0];
	s4 =	sadd.s32 $0x200, s4  }
0x128: {  	s0 =	sshll.u32 s29, $0x1  }
0x129: {  	s0 =	smin.u32 s0, $0x3D  }
0x12a: {  	s0 =	sadd.s32 $0x2, s0  }
0x12b: {  	s3 =	sshll.u32 s0, $0x8  }
0x12c: {  	s0 =	sshll.u32 s0, $0x6;
	s3 =	sadd.s32 s6, s3  }
0x12d: {  	s0 =	sand.u32 $0x40, s0;
	s3 =	sand.u32 $0xFFE00, s3  }
0x12e: {  	s0 =	sor.u32 s0, s3  }
0x12f: {  	s3 =	sadd.s32 s1, s0  }
0x130: {  	[tilespmem:s18], [sflag:$0x1] =	stream.strided.gather [hbm4b:s3+s16], $0x800, s17, s16, $0x38;
	[tilespmem:$0x2180] =	vst v63  }
0x131: {  	s0 =	sadd.s32 s2, s0  }
0x132: {  	[tilespmem:s19], [sflag:$0x3] =	stream.strided.gather [hbm4b:s0+s16], $0x800, s17, s16, $0x38;
	[tilespmem:$0x2180] =	vst v63  }
0x133: {  	_ =	swait.ge [sflag:s24], $0x800  }
0x134: {  	[sflag:s24] =	ssyncset.done $0x0  }
0x135: {  	[sflag:s24] =	ssyncadd.s32 $0xFFFFF800  }
0x136: {  	_ =	swait.ge [sflag:s25], $0x800  }
0x137: {  	[sflag:s25] =	ssyncset.done $0x0  }
0x138: {  	s30 =	simm.s32 $0x940;
	[sflag:s25] =	ssyncadd.s32 $0xFFFFF800  }
0x139: {  	v32 =	vld [tilespmem:s30+$0x20]  }
0x13a: {  	v33 =	vld [tilespmem:s30+$0x30]  }
0x13b: {  	v9 =	vld [tilespmem:s30+$0x0]  }
0x13c: {  	v7 =	vld [tilespmem:s30+$0x10]  }
0x13d: {  	v8 =	vld [tilespmem:s30+$0xFFFFFFE0]  }
0x13e: {  	v6 =	vld [tilespmem:s30+$0xFFFFFFF0]  }
0x13f: {  	s31 =	simm.s32 $0x1940;
	v10 =	vld [tilespmem:s30+$0xFFFFFFC0]  }
0x140: {  	v34 =	vld [tilespmem:s31+$0x20]  }
0x141: {  	v35 =	vld [tilespmem:s31+$0x30]  }
0x142: {  	v36 =	vld [tilespmem:s31+$0x0]  }
0x143: {  	v4 =	vsub.f32 v4, v19;
	v19 =	vsub.f32 v29, v5;
	v37 =	vld [tilespmem:s31+$0x10]  }
0x144: {  	v18 =	vsub.f32 v18, v2;
	v23 =	vsub.f32 v23, v3;
	v29 =	vld [tilespmem:s31+$0xFFFFFFE0]  }
0x145: {  	v2 =	vsub.f32 v2, v15;
	v3 =	vsub.f32 v3, v17;
	v4 =	vmax.f32 v28, v4;
	v28 =	vld [tilespmem:s31+$0xFFFFFFF0]  }
0x146: {  	v20 =	vmax.f32 v20, v25;
	v21 =	vsub.f32 v21, v1;
	v1 =	vsub.f32 v1, v16;
	v25 =	vld [tilespmem:s31+$0xFFFFFFC0]  }
0x147: {  	vm4 =	vlt.f32 v17, $2.000000000e+00;
	v5 =	vsub.f32 v5, v30;
	v24 =	vmax.f32 v24, v27;
	v27 =	vld [tilespmem:s31+$0xFFFFFFD0]  }
0x148: {  	vm3 =	vlt.f32 v30, $2.000000000e+00;
	v26 =	vsub.f32 v26, v31;
	v30 =	vsub.f32 v31, v22;
	v31 =	vld.idx.msk [tilespmem:v34+s5+$0x0], $0xffff  }
0x149: {  	v3 =	vmax.f32 v23, v3;
	v2 =	vmax.f32 v18, v2;
	v1 =	vmax.f32 v21, v1;
	v34 =	vld.idx.msk [tilespmem:v34+s15+$0x0], $0xffff  }
0x14a: {  	v5 =	vmax.f32 v19, v5;
	vm5 =	vlt.f32 v22, $2.000000000e+00;
	v3 =	vmax.f32 v3, $0.0e+00;
	v38 =	vld.idx.msk [tilespmem:v35+s5+$0x0], $0xffff  }
0x14b: {  	v1 =	vmax.f32 v1, $0.0e+00;
	v4 =	vmax.f32 v4, $0.0e+00;
	v5 =	vmax.f32 v5, $0.0e+00;
	v35 =	vld.idx.msk [tilespmem:v35+s15+$0x0], $0xffff  }
0x14c: {  	v5 =	vadd.f32 v5, v14;
	v14 =	vsel vm3, $0x3F800000, v0;
	v18 =	vmax.f32 v26, v30;
	v39 =	vld.idx.msk [tilespmem:v36+s5+$0x0], $0xffff  }
0x14d: {  	v17 =	vsel vm5, $0x3F800000, v0;
	v12 =	vadd.f32 v14, v12;
	v14 =	vmax.f32 v18, $0.0e+00;
	v19 =	vld.idx.msk [tilespmem:v36+s15+$0x0], $0xffff  }
0x14e: {  	v3 =	vadd.f32 v3, v5;
	v11 =	vadd.f32 v14, v11;
	v14 =	vsel vm4, $0x3F800000, v0;
	v18 =	vld.idx.msk [tilespmem:v37+s5+$0x0], $0xffff  }
0x14f: {  	v13 =	vadd.f32 v17, v13;
	vm3 =	vlt.f32 v16, $2.000000000e+00;
	v5 =	vadd.f32 v14, v12;
	v16 =	vld.idx.msk [tilespmem:v37+s15+$0x0], $0xffff  }
0x150: {  	v12 =	vsel vm3, $0x3F800000, v0;
	v3 =	vadd.f32 v4, v3;
	vm3 =	vlt.f32 v15, $2.000000000e+00;
	v23 =	vld.idx.msk [tilespmem:v29+s5+$0x0], $0xffff  }
0x151: {  	v4 =	vsel vm2, $0x3F800000, v0;
	v1 =	vadd.f32 v1, v11;
	v11 =	vadd.f32 v12, v13;
	v17 =	vld.idx.msk [tilespmem:v29+s15+$0x0], $0xffff  }
0x152: {  	v2 =	vmax.f32 v2, $0.0e+00;
	v12 =	vsel vm3, $0x3F800000, v0;
	v4 =	vadd.f32 v4, v5;
	v21 =	vld.idx.msk [tilespmem:v28+s5+$0x0], $0xffff  }
0x153: {  	v1 =	vadd.f32 v2, v1;
	v5 =	vadd.f32 v12, v11;
	v2 =	vmax.f32 v20, $0.0e+00;
	v15 =	vld.idx.msk [tilespmem:v28+s15+$0x0], $0xffff  }
0x154: {  	v11 =	vsel vm0, $0x3F800000, v0;
	v14 =	vadd.f32 v2, v3;
	v2 =	vmax.f32 v24, $0.0e+00;
	v29 =	vld.idx.msk [tilespmem:v25+s5+$0x0], $0xffff  }
0x155: {  	v4 =	vadd.f32 v11, v4;
	v3 =	vsel vm1, $0x3F800000, v0;
	v2 =	vadd.f32 v2, v1;
	v30 =	vld.idx.msk [tilespmem:v25+s15+$0x0], $0xffff  }
0x156: {  	v13 =	vadd.f32 v3, v5;
	v26 =	vld.idx.msk [tilespmem:v27+s5+$0x0], $0xffff;
	v20 =	vsub.f32 v31, v32;
	vm0 =	vlt.f32 v34, $2.000000000e+00  }
0x157: {  	v22 =	vld.idx.msk [tilespmem:v27+s15+$0x0], $0xffff;
	v25 =	vsub.f32 v32, v34;
	v24 =	vsub.f32 v38, v33;
	vm1 =	vlt.f32 v35, $2.000000000e+00  }
0x158: {  	s4 =	simm.s32 $0xB40;
	s0 =	simm.s32 $0x0;
	v31 =	vld [tilespmem:s30+$0xFFFFFFD0];
	v28 =	vsub.f32 v39, v9;
	vm2 =	vlt.f32 v19, $2.000000000e+00;
	v27 =	vsub.f32 v33, v35  }
.LBB2_11:
0x159: {  	v1 =	vld [tilespmem:s4+$0x20];
	v3 =	vsub.f32 v9, v19;
	v5 =	vsub.f32 v18, v7;
	vm3 =	vlt.f32 v16, $2.000000000e+00  }
0x15a: {  	v12 =	vsub.f32 v23, v8;
	vm4 =	vlt.f32 v17, $2.000000000e+00;
	v16 =	vsub.f32 v7, v16;
	v11 =	vld [tilespmem:s4+$0x30]  }
0x15b: {  	v17 =	vsub.f32 v8, v17;
	v18 =	vsub.f32 v21, v6;
	vm5 =	vlt.f32 v15, $2.000000000e+00;
	v9 =	vld [tilespmem:s4+$0x0]  }
0x15c: {  	v19 =	vsub.f32 v29, v10;
	v15 =	vsub.f32 v6, v15;
	vm6 =	vlt.f32 v30, $2.000000000e+00;
	v7 =	vld [tilespmem:s4+$0x10]  }
0x15d: {  	v21 =	vsub.f32 v10, v30;
	vm7 =	vlt.f32 v22, $2.000000000e+00;
	v8 =	vld [tilespmem:s4+$0xFFFFFFE0];
	v23 =	vsub.f32 v26, v31  }
0x15e: {  	v29 =	vsel vm1, $0x3F800000, v0;
	v22 =	vsub.f32 v31, v22;
	v26 =	vsel vm0, $0x3F800000, v0;
	v6 =	vld [tilespmem:s4+$0xFFFFFFF0]  }
0x15f: {  	s31 =	sadd.s32 $0x200, s31;
	v30 =	vsel vm4, $0x3F800000, v0;
	v32 =	vsel vm3, $0x3F800000, v0;
	v31 =	vsel vm2, $0x3F800000, v0;
	v10 =	vld [tilespmem:s4+$0xFFFFFFC0]  }
0x160: {  	v36 =	vsel vm5, $0x3F800000, v0;
	v34 =	vsel vm6, $0x3F800000, v0;
	v35 =	vsel vm7, $0x3F800000, v0;
	v33 =	vld [tilespmem:s31+$0x20]  }
0x161: {  	v20 =	vmax.f32 v20, v25;
	v24 =	vmax.f32 v24, v27;
	v3 =	vmax.f32 v28, v3;
	v37 =	vld [tilespmem:s31+$0x30]  }
0x162: {  	v12 =	vmax.f32 v12, v17;
	v5 =	vmax.f32 v5, v16;
	v19 =	vmax.f32 v19, v21;
	v25 =	vld [tilespmem:s31+$0x0]  }
0x163: {  	v15 =	vmax.f32 v18, v15;
	v17 =	vmax.f32 v19, $0.0e+00;
	v19 =	vmax.f32 v23, v22;
	v16 =	vld [tilespmem:s31+$0x10]  }
0x164: {  	v4 =	vadd.f32 v34, v4;
	v14 =	vadd.f32 v17, v14;
	v17 =	vmax.f32 v19, $0.0e+00;
	v21 =	vld [tilespmem:s31+$0xFFFFFFE0]  }
0x165: {  	v12 =	vmax.f32 v12, $0.0e+00;
	v13 =	vadd.f32 v35, v13;
	v2 =	vadd.f32 v17, v2;
	v22 =	vld [tilespmem:s31+$0xFFFFFFF0]  }
0x166: {  	v4 =	vadd.f32 v30, v4;
	v12 =	vadd.f32 v12, v14;
	v14 =	vmax.f32 v15, $0.0e+00;
	v27 =	vld [tilespmem:s31+$0xFFFFFFC0]  }
0x167: {  	v3 =	vmax.f32 v3, $0.0e+00;
	v13 =	vadd.f32 v36, v13;
	v2 =	vadd.f32 v14, v2;
	v28 =	vld [tilespmem:s31+$0xFFFFFFD0]  }
0x168: {  	v5 =	vmax.f32 v5, $0.0e+00;
	v4 =	vadd.f32 v31, v4;
	v3 =	vadd.f32 v3, v12;
	v34 =	vld.idx.msk [tilespmem:v33+s5+$0x0], $0xffff  }
0x169: {  	v2 =	vadd.f32 v5, v2;
	v5 =	vadd.f32 v32, v13;
	v13 =	vmax.f32 v20, $0.0e+00;
	v12 =	vld.idx.msk [tilespmem:v33+s15+$0x0], $0xffff  }
0x16a: {  	v4 =	vadd.f32 v26, v4;
	v14 =	vadd.f32 v13, v3;
	v3 =	vmax.f32 v24, $0.0e+00;
	v31 =	vld.idx.msk [tilespmem:v37+s5+$0x0], $0xffff  }
0x16b: {  	s3 =	simm.s32 $0x9F0;
	s30 =	simm.s32 $0x19F0;
	v2 =	vadd.f32 v3, v2;
	v13 =	vadd.f32 v29, v5;
	v32 =	vld.idx.msk [tilespmem:v37+s15+$0x0], $0xffff  }
0x16c: {  	v3 =	vld.idx.msk [tilespmem:v25+s5+$0x0], $0xffff  }
0x16d: {  	v19 =	vld.idx.msk [tilespmem:v25+s15+$0x0], $0xffff  }
0x16e: {  	v18 =	vld.idx.msk [tilespmem:v16+s5+$0x0], $0xffff  }
0x16f: {  	v16 =	vld.idx.msk [tilespmem:v16+s15+$0x0], $0xffff  }
0x170: {  	v23 =	vld.idx.msk [tilespmem:v21+s5+$0x0], $0xffff  }
0x171: {  	v17 =	vld.idx.msk [tilespmem:v21+s15+$0x0], $0xffff  }
0x172: {  	s0 =	sadd.s32 $0x80, s0;
	v21 =	vld.idx.msk [tilespmem:v22+s5+$0x0], $0xffff  }
0x173: {  	p0 =	slt.u32 s0, $0x180;
	v15 =	vld.idx.msk [tilespmem:v22+s15+$0x0], $0xffff  }
.Ltmp4:
0x174: {  	v29 =	vld.idx.msk [tilespmem:v27+s5+$0x0], $0xffff;
	(pc) =	sbr.rel @p0 .LBB2_11-.Ltmp4, $4  }
0x175: {  	v30 =	vld.idx.msk [tilespmem:v27+s15+$0x0], $0xffff  }
0x176: {  	v20 =	vsub.f32 v34, v1;
	vm0 =	vlt.f32 v12, $2.000000000e+00;
	v26 =	vld.idx.msk [tilespmem:v28+s5+$0x0], $0xffff  }
0x177: {  	v25 =	vsub.f32 v1, v12;
	v24 =	vsub.f32 v31, v11;
	vm1 =	vlt.f32 v32, $2.000000000e+00;
	v22 =	vld.idx.msk [tilespmem:v28+s15+$0x0], $0xffff  }
0x178: {  	vm2 =	vlt.f32 v19, $2.000000000e+00;
	v27 =	vsub.f32 v11, v32;
	v28 =	vsub.f32 v3, v9;
	v31 =	vld [tilespmem:s4+$0xFFFFFFD0];
	s4 =	sadd.s32 $0x200, s4  }
0x179: {  	v32 =	vld [tilespmem:s3+$0xFFFFFFF0]  }
0x17a: {  	v33 =	vld [tilespmem:s3+$0x0]  }
0x17b: {  	v11 =	vld [tilespmem:s3+$0xFFFFFFD0]  }
0x17c: {  	v3 =	vld [tilespmem:s3+$0xFFFFFFE0]  }
0x17d: {  	v5 =	vld [tilespmem:s3+$0xFFFFFFB0]  }
0x17e: {  	v1 =	vld [tilespmem:s3+$0xFFFFFFC0]  }
0x17f: {  	v12 =	vld [tilespmem:s3+$0xFFFFFF90]  }
0x180: {  	v34 =	vld [tilespmem:s30+$0xFFFFFFF0]  }
0x181: {  	v35 =	vld [tilespmem:s30+$0x0]  }
0x182: {  	v36 =	vld [tilespmem:s30+$0xFFFFFFD0]  }
0x183: {  	v9 =	vsub.f32 v9, v19;
	v37 =	vld [tilespmem:s30+$0xFFFFFFE0];
	v19 =	vsub.f32 v29, v10  }
0x184: {  	v29 =	vld [tilespmem:s30+$0xFFFFFFB0];
	v18 =	vsub.f32 v18, v7;
	v23 =	vsub.f32 v23, v8  }
0x185: {  	v7 =	vsub.f32 v7, v16;
	v8 =	vsub.f32 v8, v17;
	v20 =	vmax.f32 v20, v25;
	v25 =	vld [tilespmem:s30+$0xFFFFFF90]  }
0x186: {  	v21 =	vsub.f32 v21, v6;
	v6 =	vsub.f32 v6, v15;
	v24 =	vmax.f32 v24, v27;
	v27 =	vld [tilespmem:s30+$0xFFFFFFA0]  }
0x187: {  	vm4 =	vlt.f32 v17, $2.000000000e+00;
	v10 =	vsub.f32 v10, v30;
	v9 =	vmax.f32 v28, v9;
	v28 =	vld [tilespmem:s30+$0xFFFFFFC0]  }
0x188: {  	vm3 =	vlt.f32 v30, $2.000000000e+00;
	v26 =	vsub.f32 v26, v31;
	v30 =	vsub.f32 v31, v22;
	v31 =	vld.idx.msk [tilespmem:v34+s5+$0x0], $0xffff  }
0x189: {  	v8 =	vmax.f32 v23, v8;
	v7 =	vmax.f32 v18, v7;
	v6 =	vmax.f32 v21, v6;
	v34 =	vld.idx.msk [tilespmem:v34+s15+$0x0], $0xffff  }
0x18a: {  	v10 =	vmax.f32 v19, v10;
	vm5 =	vlt.f32 v22, $2.000000000e+00;
	v8 =	vmax.f32 v8, $0.0e+00;
	v38 =	vld.idx.msk [tilespmem:v35+s5+$0x0], $0xffff  }
0x18b: {  	v6 =	vmax.f32 v6, $0.0e+00;
	v9 =	vmax.f32 v9, $0.0e+00;
	v10 =	vmax.f32 v10, $0.0e+00;
	v35 =	vld.idx.msk [tilespmem:v35+s15+$0x0], $0xffff  }
0x18c: {  	v7 =	vmax.f32 v7, $0.0e+00;
	v17 =	vsel vm5, $0x3F800000, v0;
	v10 =	vadd.f32 v10, v14;
	v39 =	vld.idx.msk [tilespmem:v36+s5+$0x0], $0xffff  }
0x18d: {  	v14 =	vsel vm3, $0x3F800000, v0;
	v13 =	vadd.f32 v17, v13;
	v18 =	vmax.f32 v26, v30;
	v19 =	vld.idx.msk [tilespmem:v36+s15+$0x0], $0xffff  }
0x18e: {  	vm3 =	vlt.f32 v15, $2.000000000e+00;
	v4 =	vadd.f32 v14, v4;
	v14 =	vmax.f32 v18, $0.0e+00;
	v18 =	vld.idx.msk [tilespmem:v37+s5+$0x0], $0xffff  }
0x18f: {  	v8 =	vadd.f32 v8, v10;
	v2 =	vadd.f32 v14, v2;
	v14 =	vsel vm4, $0x3F800000, v0;
	v15 =	vld.idx.msk [tilespmem:v37+s15+$0x0], $0xffff  }
0x190: {  	v10 =	vsel vm3, $0x3F800000, v0;
	vm3 =	vlt.f32 v16, $2.000000000e+00;
	v23 =	vld.idx.msk [tilespmem:v29+s5+$0x0], $0xffff;
	v4 =	vadd.f32 v14, v4  }
0x191: {  	v17 =	vld.idx.msk [tilespmem:v29+s15+$0x0], $0xffff;
	v8 =	vadd.f32 v9, v8;
	v9 =	vsel vm2, $0x3F800000, v0;
	v2 =	vadd.f32 v6, v2  }
0x192: {  	v29 =	vld.idx.msk [tilespmem:v25+s5+$0x0], $0xffff;
	v6 =	vadd.f32 v10, v13;
	v10 =	vsel vm3, $0x3F800000, v0;
	v4 =	vadd.f32 v9, v4  }
0x193: {  	v30 =	vld.idx.msk [tilespmem:v25+s15+$0x0], $0xffff;
	v9 =	vsel vm0, $0x3F800000, v0;
	v2 =	vadd.f32 v7, v2;
	v7 =	vmax.f32 v20, $0.0e+00  }
0x194: {  	v26 =	vld.idx.msk [tilespmem:v27+s5+$0x0], $0xffff;
	v6 =	vadd.f32 v10, v6;
	v14 =	vadd.f32 v7, v8;
	v7 =	vmax.f32 v24, $0.0e+00  }
0x195: {  	v21 =	vld.idx.msk [tilespmem:v28+s5+$0x0], $0xffff;
	v10 =	vadd.f32 v9, v4;
	v4 =	vsel vm1, $0x3F800000, v0;
	v20 =	vsub.f32 v31, v32  }
0x196: {  	v16 =	vld.idx.msk [tilespmem:v28+s15+$0x0], $0xffff;
	vm0 =	vlt.f32 v34, $2.000000000e+00;
	v25 =	vsub.f32 v32, v34;
	v24 =	vsub.f32 v38, v33  }
0x197: {  	v22 =	vld.idx.msk [tilespmem:v27+s15+$0x0], $0xffff;
	vm1 =	vlt.f32 v35, $2.000000000e+00;
	v28 =	vsub.f32 v39, v11;
	v27 =	vsub.f32 v33, v35  }
0x198: {  	s0 =	simm.s32 $0x0;
	s4 =	simm.s32 $0xBF0;
	v31 =	vld [tilespmem:s3+$0xFFFFFFA0];
	vm2 =	vlt.f32 v19, $2.000000000e+00;
	v9 =	vadd.f32 v7, v2;
	v13 =	vadd.f32 v4, v6  }
.LBB2_13:
0x199: {  	v2 =	vld [tilespmem:s4+$0xFFFFFFF0];
	v4 =	vsub.f32 v11, v19;
	v6 =	vsub.f32 v18, v3;
	vm3 =	vlt.f32 v15, $2.000000000e+00  }
0x19a: {  	v8 =	vsub.f32 v23, v5;
	vm4 =	vlt.f32 v17, $2.000000000e+00;
	v15 =	vsub.f32 v3, v15;
	v7 =	vld [tilespmem:s4+$0x0]  }
0x19b: {  	v17 =	vsub.f32 v5, v17;
	v18 =	vsub.f32 v21, v1;
	vm5 =	vlt.f32 v16, $2.000000000e+00;
	v11 =	vld [tilespmem:s4+$0xFFFFFFD0]  }
0x19c: {  	v19 =	vsub.f32 v29, v12;
	v16 =	vsub.f32 v1, v16;
	vm6 =	vlt.f32 v30, $2.000000000e+00;
	v3 =	vld [tilespmem:s4+$0xFFFFFFE0]  }
0x19d: {  	v21 =	vsub.f32 v12, v30;
	vm7 =	vlt.f32 v22, $2.000000000e+00;
	v5 =	vld [tilespmem:s4+$0xFFFFFFB0];
	v23 =	vsub.f32 v26, v31  }
0x19e: {  	v29 =	vsel vm1, $0x3F800000, v0;
	v22 =	vsub.f32 v31, v22;
	v26 =	vsel vm0, $0x3F800000, v0;
	v1 =	vld [tilespmem:s4+$0xFFFFFFC0]  }
0x19f: {  	s30 =	sadd.s32 $0x200, s30;
	v30 =	vsel vm4, $0x3F800000, v0;
	v32 =	vsel vm3, $0x3F800000, v0;
	v31 =	vsel vm2, $0x3F800000, v0;
	v12 =	vld [tilespmem:s4+$0xFFFFFF90]  }
0x1a0: {  	v36 =	vsel vm5, $0x3F800000, v0;
	v34 =	vsel vm6, $0x3F800000, v0;
	v35 =	vsel vm7, $0x3F800000, v0;
	v33 =	vld [tilespmem:s30+$0xFFFFFFF0]  }
0x1a1: {  	v20 =	vmax.f32 v20, v25;
	v24 =	vmax.f32 v24, v27;
	v4 =	vmax.f32 v28, v4;
	v37 =	vld [tilespmem:s30+$0x0]  }
0x1a2: {  	v8 =	vmax.f32 v8, v17;
	v6 =	vmax.f32 v6, v15;
	v19 =	vmax.f32 v19, v21;
	v25 =	vld [tilespmem:s30+$0xFFFFFFD0]  }
0x1a3: {  	v16 =	vmax.f32 v18, v16;
	v17 =	vmax.f32 v19, $0.0e+00;
	v19 =	vmax.f32 v23, v22;
	v15 =	vld [tilespmem:s30+$0xFFFFFFE0]  }
0x1a4: {  	v10 =	vadd.f32 v34, v10;
	v14 =	vadd.f32 v17, v14;
	v17 =	vmax.f32 v19, $0.0e+00;
	v21 =	vld [tilespmem:s30+$0xFFFFFFB0]  }
0x1a5: {  	v8 =	vmax.f32 v8, $0.0e+00;
	v13 =	vadd.f32 v35, v13;
	v9 =	vadd.f32 v17, v9;
	v22 =	vld [tilespmem:s30+$0xFFFFFFC0]  }
0x1a6: {  	v10 =	vadd.f32 v30, v10;
	v8 =	vadd.f32 v8, v14;
	v14 =	vmax.f32 v16, $0.0e+00;
	v27 =	vld [tilespmem:s30+$0xFFFFFF90]  }
0x1a7: {  	v4 =	vmax.f32 v4, $0.0e+00;
	v13 =	vadd.f32 v36, v13;
	v9 =	vadd.f32 v14, v9;
	v28 =	vld [tilespmem:s30+$0xFFFFFFA0]  }
0x1a8: {  	v6 =	vmax.f32 v6, $0.0e+00;
	v4 =	vadd.f32 v4, v8;
	v8 =	vadd.f32 v31, v10;
	v34 =	vld.idx.msk [tilespmem:v33+s5+$0x0], $0xffff  }
0x1a9: {  	v13 =	vadd.f32 v32, v13;
	v6 =	vadd.f32 v6, v9;
	v9 =	vmax.f32 v20, $0.0e+00;
	v31 =	vld.idx.msk [tilespmem:v33+s15+$0x0], $0xffff  }
0x1aa: {  	v10 =	vadd.f32 v26, v8;
	v14 =	vadd.f32 v9, v4;
	v4 =	vmax.f32 v24, $0.0e+00;
	v32 =	vld.idx.msk [tilespmem:v37+s5+$0x0], $0xffff  }
0x1ab: {  	s3 =	simm.s32 $0xA70;
	s31 =	simm.s32 $0x1A70;
	v13 =	vadd.f32 v29, v13;
	v9 =	vadd.f32 v4, v6;
	v8 =	vld.idx.msk [tilespmem:v37+s15+$0x0], $0xffff  }
0x1ac: {  	v4 =	vld.idx.msk [tilespmem:v25+s5+$0x0], $0xffff  }
0x1ad: {  	v19 =	vld.idx.msk [tilespmem:v25+s15+$0x0], $0xffff  }
0x1ae: {  	v18 =	vld.idx.msk [tilespmem:v15+s5+$0x0], $0xffff  }
0x1af: {  	v15 =	vld.idx.msk [tilespmem:v15+s15+$0x0], $0xffff  }
0x1b0: {  	v23 =	vld.idx.msk [tilespmem:v21+s5+$0x0], $0xffff  }
0x1b1: {  	v17 =	vld.idx.msk [tilespmem:v21+s15+$0x0], $0xffff  }
0x1b2: {  	s0 =	sadd.s32 $0x80, s0;
	v21 =	vld.idx.msk [tilespmem:v22+s5+$0x0], $0xffff  }
0x1b3: {  	p0 =	slt.u32 s0, $0x180;
	v16 =	vld.idx.msk [tilespmem:v22+s15+$0x0], $0xffff  }
.Ltmp5:
0x1b4: {  	v29 =	vld.idx.msk [tilespmem:v27+s5+$0x0], $0xffff;
	(pc) =	sbr.rel @p0 .LBB2_13-.Ltmp5, $4  }
0x1b5: {  	v30 =	vld.idx.msk [tilespmem:v27+s15+$0x0], $0xffff  }
0x1b6: {  	v20 =	vsub.f32 v34, v2;
	vm0 =	vlt.f32 v31, $2.000000000e+00;
	v26 =	vld.idx.msk [tilespmem:v28+s5+$0x0], $0xffff  }
0x1b7: {  	v25 =	vsub.f32 v2, v31;
	v24 =	vsub.f32 v32, v7;
	vm1 =	vlt.f32 v8, $2.000000000e+00;
	v22 =	vld.idx.msk [tilespmem:v28+s15+$0x0], $0xffff  }
0x1b8: {  	vm2 =	vlt.f32 v19, $2.000000000e+00;
	v27 =	vsub.f32 v7, v8;
	v28 =	vsub.f32 v4, v11;
	v31 =	vld [tilespmem:s4+$0xFFFFFFA0];
	s4 =	sadd.s32 $0x200, s4  }
0x1b9: {  	v32 =	vld [tilespmem:s3+$0xFFFFFFF0]  }
0x1ba: {  	v33 =	vld [tilespmem:s3+$0x0]  }
0x1bb: {  	v7 =	vld [tilespmem:s3+$0xFFFFFFD0]  }
0x1bc: {  	v4 =	vld [tilespmem:s3+$0xFFFFFFE0]  }
0x1bd: {  	v6 =	vld [tilespmem:s3+$0xFFFFFFB0]  }
0x1be: {  	v2 =	vld [tilespmem:s3+$0xFFFFFFC0]  }
0x1bf: {  	v8 =	vld [tilespmem:s3+$0xFFFFFF90]  }
0x1c0: {  	v34 =	vld [tilespmem:s31+$0xFFFFFFF0]  }
0x1c1: {  	v35 =	vld [tilespmem:s31+$0x0]  }
0x1c2: {  	v36 =	vld [tilespmem:s31+$0xFFFFFFD0]  }
0x1c3: {  	v11 =	vsub.f32 v11, v19;
	v37 =	vld [tilespmem:s31+$0xFFFFFFE0];
	v19 =	vsub.f32 v29, v12  }
0x1c4: {  	v29 =	vld [tilespmem:s31+$0xFFFFFFB0];
	v18 =	vsub.f32 v18, v3;
	v23 =	vsub.f32 v23, v5  }
0x1c5: {  	v3 =	vsub.f32 v3, v15;
	v5 =	vsub.f32 v5, v17;
	v20 =	vmax.f32 v20, v25;
	v25 =	vld [tilespmem:s31+$0xFFFFFF90]  }
0x1c6: {  	v21 =	vsub.f32 v21, v1;
	v1 =	vsub.f32 v1, v16;
	v24 =	vmax.f32 v24, v27;
	v27 =	vld [tilespmem:s31+$0xFFFFFFA0]  }
0x1c7: {  	vm4 =	vlt.f32 v17, $2.000000000e+00;
	v12 =	vsub.f32 v12, v30;
	v11 =	vmax.f32 v28, v11;
	v28 =	vld [tilespmem:s31+$0xFFFFFFC0]  }
0x1c8: {  	vm3 =	vlt.f32 v30, $2.000000000e+00;
	v26 =	vsub.f32 v26, v31;
	v30 =	vsub.f32 v31, v22;
	v31 =	vld.idx.msk [tilespmem:v34+s5+$0x0], $0xffff  }
0x1c9: {  	v5 =	vmax.f32 v23, v5;
	v3 =	vmax.f32 v18, v3;
	v1 =	vmax.f32 v21, v1;
	v34 =	vld.idx.msk [tilespmem:v34+s15+$0x0], $0xffff  }
0x1ca: {  	v12 =	vmax.f32 v19, v12;
	vm5 =	vlt.f32 v22, $2.000000000e+00;
	v5 =	vmax.f32 v5, $0.0e+00;
	v38 =	vld.idx.msk [tilespmem:v35+s5+$0x0], $0xffff  }
0x1cb: {  	v1 =	vmax.f32 v1, $0.0e+00;
	v11 =	vmax.f32 v11, $0.0e+00;
	v12 =	vmax.f32 v12, $0.0e+00;
	v35 =	vld.idx.msk [tilespmem:v35+s15+$0x0], $0xffff  }
0x1cc: {  	v17 =	vsel vm5, $0x3F800000, v0;
	v12 =	vadd.f32 v12, v14;
	v14 =	vsel vm3, $0x3F800000, v0;
	v39 =	vld.idx.msk [tilespmem:v36+s5+$0x0], $0xffff  }
0x1cd: {  	v13 =	vadd.f32 v17, v13;
	vm3 =	vlt.f32 v16, $2.000000000e+00;
	v18 =	vmax.f32 v26, v30;
	v19 =	vld.idx.msk [tilespmem:v36+s15+$0x0], $0xffff  }
0x1ce: {  	v10 =	vadd.f32 v14, v10;
	v14 =	vmax.f32 v18, $0.0e+00;
	v5 =	vadd.f32 v5, v12;
	v18 =	vld.idx.msk [tilespmem:v37+s5+$0x0], $0xffff  }
0x1cf: {  	v12 =	vsel vm3, $0x3F800000, v0;
	v9 =	vadd.f32 v14, v9;
	v14 =	vsel vm4, $0x3F800000, v0;
	v16 =	vld.idx.msk [tilespmem:v37+s15+$0x0], $0xffff  }
0x1d0: {  	vm3 =	vlt.f32 v15, $2.000000000e+00;
	v23 =	vld.idx.msk [tilespmem:v29+s5+$0x0], $0xffff;
	v10 =	vadd.f32 v14, v10;
	v5 =	vadd.f32 v11, v5  }
0x1d1: {  	v17 =	vld.idx.msk [tilespmem:v29+s15+$0x0], $0xffff;
	v11 =	vsel vm2, $0x3F800000, v0;
	v1 =	vadd.f32 v1, v9;
	v9 =	vadd.f32 v12, v13  }
0x1d2: {  	v3 =	vmax.f32 v3, $0.0e+00;
	v29 =	vld.idx.msk [tilespmem:v25+s5+$0x0], $0xffff;
	v12 =	vsel vm3, $0x3F800000, v0;
	v10 =	vadd.f32 v11, v10  }
0x1d3: {  	v30 =	vld.idx.msk [tilespmem:v25+s15+$0x0], $0xffff;
	v1 =	vadd.f32 v3, v1;
	v3 =	vadd.f32 v12, v9;
	v9 =	vmax.f32 v20, $0.0e+00  }
0x1d4: {  	v26 =	vld.idx.msk [tilespmem:v27+s5+$0x0], $0xffff;
	v11 =	vsel vm0, $0x3F800000, v0;
	v14 =	vadd.f32 v9, v5;
	v5 =	vmax.f32 v24, $0.0e+00  }
0x1d5: {  	v21 =	vld.idx.msk [tilespmem:v28+s5+$0x0], $0xffff;
	v12 =	vadd.f32 v11, v10;
	v9 =	vsel vm1, $0x3F800000, v0;
	v20 =	vsub.f32 v31, v32  }
0x1d6: {  	v15 =	vld.idx.msk [tilespmem:v28+s15+$0x0], $0xffff;
	vm0 =	vlt.f32 v34, $2.000000000e+00;
	v25 =	vsub.f32 v32, v34;
	v24 =	vsub.f32 v38, v33  }
0x1d7: {  	v22 =	vld.idx.msk [tilespmem:v27+s15+$0x0], $0xffff;
	vm1 =	vlt.f32 v35, $2.000000000e+00;
	v28 =	vsub.f32 v39, v7;
	v27 =	vsub.f32 v33, v35  }
0x1d8: {  	s0 =	simm.s32 $0x0;
	s4 =	simm.s32 $0xC70;
	v31 =	vld [tilespmem:s3+$0xFFFFFFA0];
	vm2 =	vlt.f32 v19, $2.000000000e+00;
	v11 =	vadd.f32 v5, v1;
	v13 =	vadd.f32 v9, v3  }
.LBB2_15:
0x1d9: {  	v1 =	vld [tilespmem:s4+$0xFFFFFFF0];
	v3 =	vsub.f32 v7, v19;
	v5 =	vsub.f32 v18, v4;
	vm3 =	vlt.f32 v16, $2.000000000e+00  }
0x1da: {  	v10 =	vsub.f32 v23, v6;
	vm4 =	vlt.f32 v17, $2.000000000e+00;
	v16 =	vsub.f32 v4, v16;
	v9 =	vld [tilespmem:s4+$0x0]  }
0x1db: {  	v17 =	vsub.f32 v6, v17;
	v18 =	vsub.f32 v21, v2;
	vm5 =	vlt.f32 v15, $2.000000000e+00;
	v7 =	vld [tilespmem:s4+$0xFFFFFFD0]  }
0x1dc: {  	v19 =	vsub.f32 v29, v8;
	v15 =	vsub.f32 v2, v15;
	vm6 =	vlt.f32 v30, $2.000000000e+00;
	v4 =	vld [tilespmem:s4+$0xFFFFFFE0]  }
0x1dd: {  	v21 =	vsub.f32 v8, v30;
	vm7 =	vlt.f32 v22, $2.000000000e+00;
	v6 =	vld [tilespmem:s4+$0xFFFFFFB0];
	v23 =	vsub.f32 v26, v31  }
0x1de: {  	v29 =	vsel vm1, $0x3F800000, v0;
	v22 =	vsub.f32 v31, v22;
	v26 =	vsel vm0, $0x3F800000, v0;
	v2 =	vld [tilespmem:s4+$0xFFFFFFC0]  }
0x1df: {  	s31 =	sadd.s32 $0x200, s31;
	v30 =	vsel vm4, $0x3F800000, v0;
	v32 =	vsel vm3, $0x3F800000, v0;
	v31 =	vsel vm2, $0x3F800000, v0;
	v8 =	vld [tilespmem:s4+$0xFFFFFF90]  }
0x1e0: {  	v36 =	vsel vm5, $0x3F800000, v0;
	v34 =	vsel vm6, $0x3F800000, v0;
	v35 =	vsel vm7, $0x3F800000, v0;
	v33 =	vld [tilespmem:s31+$0xFFFFFFF0]  }
0x1e1: {  	v20 =	vmax.f32 v20, v25;
	v24 =	vmax.f32 v24, v27;
	v3 =	vmax.f32 v28, v3;
	v37 =	vld [tilespmem:s31+$0x0]  }
0x1e2: {  	v10 =	vmax.f32 v10, v17;
	v5 =	vmax.f32 v5, v16;
	v19 =	vmax.f32 v19, v21;
	v25 =	vld [tilespmem:s31+$0xFFFFFFD0]  }
0x1e3: {  	v15 =	vmax.f32 v18, v15;
	v17 =	vmax.f32 v19, $0.0e+00;
	v19 =	vmax.f32 v23, v22;
	v16 =	vld [tilespmem:s31+$0xFFFFFFE0]  }
0x1e4: {  	v12 =	vadd.f32 v34, v12;
	v14 =	vadd.f32 v17, v14;
	v17 =	vmax.f32 v19, $0.0e+00;
	v21 =	vld [tilespmem:s31+$0xFFFFFFB0]  }
0x1e5: {  	v10 =	vmax.f32 v10, $0.0e+00;
	v13 =	vadd.f32 v35, v13;
	v11 =	vadd.f32 v17, v11;
	v22 =	vld [tilespmem:s31+$0xFFFFFFC0]  }
0x1e6: {  	v12 =	vadd.f32 v30, v12;
	v10 =	vadd.f32 v10, v14;
	v14 =	vmax.f32 v15, $0.0e+00;
	v27 =	vld [tilespmem:s31+$0xFFFFFF90]  }
0x1e7: {  	v3 =	vmax.f32 v3, $0.0e+00;
	v13 =	vadd.f32 v36, v13;
	v11 =	vadd.f32 v14, v11;
	v28 =	vld [tilespmem:s31+$0xFFFFFFA0]  }
0x1e8: {  	v5 =	vmax.f32 v5, $0.0e+00;
	v3 =	vadd.f32 v3, v10;
	v10 =	vadd.f32 v31, v12;
	v34 =	vld.idx.msk [tilespmem:v33+s5+$0x0], $0xffff  }
0x1e9: {  	v13 =	vadd.f32 v32, v13;
	v5 =	vadd.f32 v5, v11;
	v11 =	vmax.f32 v20, $0.0e+00;
	v31 =	vld.idx.msk [tilespmem:v33+s15+$0x0], $0xffff  }
0x1ea: {  	v12 =	vadd.f32 v26, v10;
	v14 =	vadd.f32 v11, v3;
	v3 =	vmax.f32 v24, $0.0e+00;
	v32 =	vld.idx.msk [tilespmem:v37+s5+$0x0], $0xffff  }
0x1eb: {  	s3 =	simm.s32 $0xAF0;
	s30 =	simm.s32 $0x1AF0;
	v13 =	vadd.f32 v29, v13;
	v11 =	vadd.f32 v3, v5;
	v10 =	vld.idx.msk [tilespmem:v37+s15+$0x0], $0xffff  }
0x1ec: {  	v3 =	vld.idx.msk [tilespmem:v25+s5+$0x0], $0xffff  }
0x1ed: {  	v19 =	vld.idx.msk [tilespmem:v25+s15+$0x0], $0xffff  }
0x1ee: {  	v18 =	vld.idx.msk [tilespmem:v16+s5+$0x0], $0xffff  }
0x1ef: {  	v16 =	vld.idx.msk [tilespmem:v16+s15+$0x0], $0xffff  }
0x1f0: {  	v23 =	vld.idx.msk [tilespmem:v21+s5+$0x0], $0xffff  }
0x1f1: {  	v17 =	vld.idx.msk [tilespmem:v21+s15+$0x0], $0xffff  }
0x1f2: {  	s0 =	sadd.s32 $0x80, s0;
	v21 =	vld.idx.msk [tilespmem:v22+s5+$0x0], $0xffff  }
0x1f3: {  	p0 =	slt.u32 s0, $0x180;
	v15 =	vld.idx.msk [tilespmem:v22+s15+$0x0], $0xffff  }
.Ltmp6:
0x1f4: {  	v29 =	vld.idx.msk [tilespmem:v27+s5+$0x0], $0xffff;
	(pc) =	sbr.rel @p0 .LBB2_15-.Ltmp6, $4  }
0x1f5: {  	v30 =	vld.idx.msk [tilespmem:v27+s15+$0x0], $0xffff  }
0x1f6: {  	v20 =	vsub.f32 v34, v1;
	vm0 =	vlt.f32 v31, $2.000000000e+00;
	v26 =	vld.idx.msk [tilespmem:v28+s5+$0x0], $0xffff  }
0x1f7: {  	v25 =	vsub.f32 v1, v31;
	v24 =	vsub.f32 v32, v9;
	vm1 =	vlt.f32 v10, $2.000000000e+00;
	v22 =	vld.idx.msk [tilespmem:v28+s15+$0x0], $0xffff  }
0x1f8: {  	vm2 =	vlt.f32 v19, $2.000000000e+00;
	v27 =	vsub.f32 v9, v10;
	v28 =	vsub.f32 v3, v7;
	v31 =	vld [tilespmem:s4+$0xFFFFFFA0];
	s4 =	sadd.s32 $0x200, s4  }
0x1f9: {  	v32 =	vld [tilespmem:s3+$0xFFFFFFF0]  }
0x1fa: {  	v33 =	vld [tilespmem:s3+$0x0]  }
0x1fb: {  	v10 =	vld [tilespmem:s3+$0xFFFFFFD0]  }
0x1fc: {  	v5 =	vld [tilespmem:s3+$0xFFFFFFE0]  }
0x1fd: {  	v9 =	vld [tilespmem:s3+$0xFFFFFFB0]  }
0x1fe: {  	v1 =	vld [tilespmem:s3+$0xFFFFFFC0]  }
0x1ff: {  	v3 =	vld [tilespmem:s3+$0xFFFFFF90]  }
0x200: {  	v34 =	vld [tilespmem:s30+$0xFFFFFFF0]  }
0x201: {  	v35 =	vld [tilespmem:s30+$0x0]  }
0x202: {  	v36 =	vld [tilespmem:s30+$0xFFFFFFD0]  }
0x203: {  	v7 =	vsub.f32 v7, v19;
	v19 =	vld [tilespmem:s30+$0xFFFFFFE0];
	v29 =	vsub.f32 v29, v8  }
0x204: {  	v59 =	vld [tilespmem:s30+$0xFFFFFFB0];
	v18 =	vsub.f32 v18, v4;
	v23 =	vsub.f32 v23, v6  }
0x205: {  	v60 =	vld [tilespmem:s30+$0xFFFFFFC0];
	v4 =	vsub.f32 v4, v16;
	v6 =	vsub.f32 v6, v17;
	v25 =	vmax.f32 v20, v25  }
0x206: {  	v37 =	vld [tilespmem:s30+$0xFFFFFF90];
	v20 =	vsub.f32 v21, v2;
	v2 =	vsub.f32 v2, v15;
	vm4 =	vlt.f32 v17, $2.000000000e+00  }
0x207: {  	vm3 =	vlt.f32 v30, $2.000000000e+00;
	v8 =	vsub.f32 v8, v30;
	v24 =	vmax.f32 v24, v27;
	v27 =	vld [tilespmem:s30+$0xFFFFFFA0]  }
0x208: {  	v7 =	vmax.f32 v28, v7;
	v21 =	vsub.f32 v26, v31;
	v26 =	vsub.f32 v31, v22;
	v61 =	vld.idx.msk [tilespmem:v34+s5+$0x0], $0xffff  }
0x209: {  	v6 =	vmax.f32 v23, v6;
	v4 =	vmax.f32 v18, v4;
	v2 =	vmax.f32 v20, v2;
	v18 =	vld.idx.msk [tilespmem:v34+s15+$0x0], $0xffff  }
0x20a: {  	v8 =	vmax.f32 v29, v8;
	vm5 =	vlt.f32 v22, $2.000000000e+00;
	v21 =	vmax.f32 v21, v26;
	v26 =	vld.idx.msk [tilespmem:v35+s5+$0x0], $0xffff  }
0x20b: {  	v6 =	vmax.f32 v6, $0.0e+00;
	v8 =	vmax.f32 v8, $0.0e+00;
	v17 =	vsel vm5, $0x3F800000, v0;
	v62 =	vld.idx.msk [tilespmem:v35+s15+$0x0], $0xffff  }
0x20c: {  	v8 =	vadd.f32 v8, v14;
	v14 =	vsel vm3, $0x3F800000, v0;
	v17 =	vadd.f32 v17, v13;
	v63 =	vld.idx.msk [tilespmem:v36+s5+$0x0], $0xffff  }
0x20d: {  	vm3 =	vlt.f32 v15, $2.000000000e+00;
	v12 =	vadd.f32 v14, v12;
	v14 =	vmax.f32 v21, $0.0e+00;
	v13 =	vld.idx.msk [tilespmem:v36+s15+$0x0], $0xffff  }
0x20e: {  	v6 =	vadd.f32 v6, v8;
	v11 =	vadd.f32 v14, v11;
	v14 =	vsel vm4, $0x3F800000, v0;
	v15 =	vld.idx.msk [tilespmem:v19+s5+$0x0], $0xffff  }
0x20f: {  	v2 =	vmax.f32 v2, $0.0e+00;
	v7 =	vmax.f32 v7, $0.0e+00;
	v20 =	vld.idx.msk [tilespmem:v59+s5+$0x0], $0xffff;
	v8 =	vadd.f32 v14, v12  }
0x210: {  	v21 =	vld.idx.msk [tilespmem:v60+s5+$0x0], $0xffff;
	v12 =	vsel vm3, $0x3F800000, v0;
	v6 =	vadd.f32 v7, v6;
	vm3 =	vlt.f32 v16, $2.000000000e+00  }
0x211: {  	v23 =	vld.idx.msk [tilespmem:v37+s5+$0x0], $0xffff;
	v7 =	vsel vm2, $0x3F800000, v0;
	v2 =	vadd.f32 v2, v11;
	v11 =	vadd.f32 v12, v17  }
0x212: {  	v4 =	vmax.f32 v4, $0.0e+00;
	v22 =	vld.idx.msk [tilespmem:v37+s15+$0x0], $0xffff;
	v12 =	vsel vm3, $0x3F800000, v0;
	v7 =	vadd.f32 v7, v8  }
0x213: {  	v14 =	vld.idx.msk [tilespmem:v19+s15+$0x0], $0xffff;
	v8 =	vadd.f32 v4, v2;
	v11 =	vadd.f32 v12, v11;
	v2 =	vmax.f32 v25, $0.0e+00  }
0x214: {  	v16 =	vld.idx.msk [tilespmem:v59+s15+$0x0], $0xffff;
	v4 =	vsel vm0, $0x3F800000, v0;
	v2 =	vadd.f32 v2, v6;
	v6 =	vmax.f32 v24, $0.0e+00  }
0x215: {  	v17 =	vld.idx.msk [tilespmem:v60+s15+$0x0], $0xffff;
	v4 =	vadd.f32 v4, v7;
	v7 =	vsel vm1, $0x3F800000, v0;
	v12 =	vsub.f32 v26, v33  }
0x216: {  	v25 =	vld.idx.msk [tilespmem:v27+s15+$0x0], $0xffff;
	vm0 =	vlt.f32 v18, $2.000000000e+00;
	v19 =	vsub.f32 v33, v62;
	v6 =	vadd.f32 v6, v8  }
0x217: {  	v24 =	vld.idx.msk [tilespmem:v27+s5+$0x0], $0xffff;
	vm1 =	vlt.f32 v62, $2.000000000e+00;
	v7 =	vadd.f32 v7, v11;
	v8 =	vsub.f32 v61, v32  }
0x218: {  	s0 =	simm.s32 $0x0;
	s4 =	simm.s32 $0xCF0;
	v26 =	vld [tilespmem:s3+$0xFFFFFFA0];
	vm2 =	vlt.f32 v13, $2.000000000e+00;
	v11 =	vsub.f32 v32, v18;
	v18 =	vsub.f32 v63, v10  }
.LBB2_17:
0x219: {  	v27 =	vld [tilespmem:s4+$0xFFFFFFF0];
	v13 =	vsub.f32 v10, v13;
	v15 =	vsub.f32 v15, v5;
	vm3 =	vlt.f32 v14, $2.000000000e+00  }
0x21a: {  	v20 =	vsub.f32 v20, v9;
	vm4 =	vlt.f32 v16, $2.000000000e+00;
	v14 =	vsub.f32 v5, v14;
	v28 =	vld [tilespmem:s4+$0x0]  }
0x21b: {  	v16 =	vsub.f32 v9, v16;
	v21 =	vsub.f32 v21, v1;
	vm5 =	vlt.f32 v17, $2.000000000e+00;
	v10 =	vld [tilespmem:s4+$0xFFFFFFD0]  }
0x21c: {  	v23 =	vsub.f32 v23, v3;
	v17 =	vsub.f32 v1, v17;
	vm6 =	vlt.f32 v22, $2.000000000e+00;
	v5 =	vld [tilespmem:s4+$0xFFFFFFE0]  }
0x21d: {  	v22 =	vsub.f32 v3, v22;
	vm7 =	vlt.f32 v25, $2.000000000e+00;
	v9 =	vld [tilespmem:s4+$0xFFFFFFB0];
	v24 =	vsub.f32 v24, v26  }
0x21e: {  	v29 =	vsel vm1, $0x3F800000, v0;
	v25 =	vsub.f32 v26, v25;
	v26 =	vsel vm0, $0x3F800000, v0;
	v1 =	vld [tilespmem:s4+$0xFFFFFFC0]  }
0x21f: {  	v31 =	vsel vm2, $0x3F800000, v0;
	s30 =	sadd.s32 $0x200, s30;
	v30 =	vsel vm4, $0x3F800000, v0;
	v32 =	vsel vm3, $0x3F800000, v0;
	v3 =	vld [tilespmem:s4+$0xFFFFFF90]  }
0x220: {  	v36 =	vsel vm5, $0x3F800000, v0;
	v34 =	vsel vm6, $0x3F800000, v0;
	v35 =	vsel vm7, $0x3F800000, v0;
	v33 =	vld [tilespmem:s30+$0xFFFFFFF0]  }
0x221: {  	v8 =	vmax.f32 v8, v11;
	v11 =	vmax.f32 v12, v19;
	v13 =	vmax.f32 v18, v13;
	v37 =	vld [tilespmem:s30+$0x0]  }
0x222: {  	v16 =	vmax.f32 v20, v16;
	v14 =	vmax.f32 v15, v14;
	v18 =	vmax.f32 v23, v22;
	v12 =	vld [tilespmem:s30+$0xFFFFFFD0]  }
0x223: {  	v17 =	vmax.f32 v21, v17;
	v15 =	vmax.f32 v18, $0.0e+00;
	v18 =	vmax.f32 v24, v25;
	v19 =	vld [tilespmem:s30+$0xFFFFFFE0]  }
0x224: {  	v4 =	vadd.f32 v34, v4;
	v2 =	vadd.f32 v15, v2;
	v15 =	vmax.f32 v18, $0.0e+00;
	v21 =	vld [tilespmem:s30+$0xFFFFFFB0]  }
0x225: {  	v7 =	vadd.f32 v35, v7;
	v6 =	vadd.f32 v15, v6;
	v15 =	vmax.f32 v16, $0.0e+00;
	v18 =	vld [tilespmem:s30+$0xFFFFFFC0]  }
0x226: {  	v4 =	vadd.f32 v30, v4;
	v2 =	vadd.f32 v15, v2;
	v15 =	vmax.f32 v17, $0.0e+00;
	v22 =	vld [tilespmem:s30+$0xFFFFFF90]  }
0x227: {  	v13 =	vmax.f32 v13, $0.0e+00;
	v7 =	vadd.f32 v36, v7;
	v6 =	vadd.f32 v15, v6;
	v25 =	vld [tilespmem:s30+$0xFFFFFFA0]  }
0x228: {  	v4 =	vadd.f32 v31, v4;
	v2 =	vadd.f32 v13, v2;
	v13 =	vmax.f32 v14, $0.0e+00;
	v30 =	vld.idx.msk [tilespmem:v33+s5+$0x0], $0xffff  }
0x229: {  	v8 =	vmax.f32 v8, $0.0e+00;
	v7 =	vadd.f32 v32, v7;
	v6 =	vadd.f32 v13, v6;
	v31 =	vld.idx.msk [tilespmem:v33+s15+$0x0], $0xffff  }
0x22a: {  	v4 =	vadd.f32 v26, v4;
	v2 =	vadd.f32 v8, v2;
	v8 =	vmax.f32 v11, $0.0e+00;
	v32 =	vld.idx.msk [tilespmem:v37+s5+$0x0], $0xffff  }
0x22b: {  	v7 =	vadd.f32 v29, v7;
	v6 =	vadd.f32 v8, v6;
	v33 =	vld.idx.msk [tilespmem:v37+s15+$0x0], $0xffff  }
0x22c: {  	v29 =	vld.idx.msk [tilespmem:v12+s5+$0x0], $0xffff  }
0x22d: {  	v13 =	vld.idx.msk [tilespmem:v12+s15+$0x0], $0xffff  }
0x22e: {  	v15 =	vld.idx.msk [tilespmem:v19+s5+$0x0], $0xffff  }
0x22f: {  	v14 =	vld.idx.msk [tilespmem:v19+s15+$0x0], $0xffff  }
0x230: {  	v20 =	vld.idx.msk [tilespmem:v21+s5+$0x0], $0xffff  }
0x231: {  	v16 =	vld.idx.msk [tilespmem:v21+s15+$0x0], $0xffff  }
0x232: {  	s0 =	sadd.s32 $0x80, s0;
	v21 =	vld.idx.msk [tilespmem:v18+s5+$0x0], $0xffff  }
0x233: {  	p0 =	slt.u32 s0, $0x180;
	v17 =	vld.idx.msk [tilespmem:v18+s15+$0x0], $0xffff  }
.Ltmp7:
0x234: {  	v23 =	vld.idx.msk [tilespmem:v22+s5+$0x0], $0xffff;
	(pc) =	sbr.rel @p0 .LBB2_17-.Ltmp7, $4  }
0x235: {  	v22 =	vld.idx.msk [tilespmem:v22+s15+$0x0], $0xffff  }
0x236: {  	v8 =	vsub.f32 v30, v27;
	vm0 =	vlt.f32 v31, $2.000000000e+00;
	v24 =	vld.idx.msk [tilespmem:v25+s5+$0x0], $0xffff  }
0x237: {  	v11 =	vsub.f32 v27, v31;
	v12 =	vsub.f32 v32, v28;
	vm1 =	vlt.f32 v33, $2.000000000e+00;
	v25 =	vld.idx.msk [tilespmem:v25+s15+$0x0], $0xffff  }
0x238: {  	v19 =	vsub.f32 v28, v33;
	vm2 =	vlt.f32 v13, $2.000000000e+00;
	v18 =	vsub.f32 v29, v10;
	v26 =	vld [tilespmem:s4+$0xFFFFFFA0];
	s4 =	sadd.s32 $0x200, s4  }
0x239: {  	v10 =	vsub.f32 v10, v13;
	v51 =	vsub.f32 v15, v5;
	vm3 =	vlt.f32 v14, $2.000000000e+00  }
0x23a: {  	v52 =	vsub.f32 v20, v9;
	vm4 =	vlt.f32 v16, $2.000000000e+00;
	v5 =	vsub.f32 v5, v14  }
0x23b: {  	v9 =	vsub.f32 v9, v16;
	v53 =	vsub.f32 v21, v1;
	vm5 =	vlt.f32 v17, $2.000000000e+00  }
0x23c: {  	v54 =	vsub.f32 v23, v3;
	v1 =	vsub.f32 v1, v17;
	v57 =	vsel vm0, $0x3F800000, v0  }
0x23d: {  	v58 =	vsel vm1, $0x3F800000, v0;
	v60 =	vsel vm2, $0x3F800000, v0;
	v8 =	vmax.f32 v8, v11  }
0x23e: {  	vm6 =	vlt.f32 v22, $2.000000000e+00;
	v3 =	vsub.f32 v3, v22;
	v59 =	vsel vm4, $0x3F800000, v0  }
0x23f: {  	v61 =	vsel vm3, $0x3F800000, v0;
	v28 =	vsel vm5, $0x3F800000, v0;
	v11 =	vmax.f32 v12, v19  }
0x240: {  	v62 =	vsel vm6, $0x3F800000, v0;
	v10 =	vmax.f32 v18, v10;
	v9 =	vmax.f32 v52, v9  }
0x241: {  	v5 =	vmax.f32 v51, v5;
	v55 =	vsub.f32 v24, v26;
	v56 =	vsub.f32 v26, v25  }
0x242: {  	v1 =	vmax.f32 v53, v1;
	vm7 =	vlt.f32 v25, $2.000000000e+00;
	v3 =	vmax.f32 v54, v3  }
0x243: {  	v27 =	vsel vm7, $0x3F800000, v0;
	v3 =	vmax.f32 v3, $0.0e+00;
	v63 =	vmax.f32 v55, v56  }
0x244: {  	v2 =	vadd.f32 v3, v2;
	v3 =	vadd.f32 v62, v4;
	v4 =	vmax.f32 v63, $0.0e+00  }
0x245: {  	s29 =	sadd.s32 $0x1, s29;
	v4 =	vadd.f32 v4, v6;
	v6 =	vadd.f32 v27, v7;
	v7 =	vmax.f32 v9, $0.0e+00  }
0x246: {  	p0 =	sne.s32 s29, $0x20;
	v1 =	vmax.f32 v1, $0.0e+00;
	v3 =	vadd.f32 v59, v3;
	v2 =	vadd.f32 v7, v2  }
.Ltmp8:
0x247: {  	v1 =	vadd.f32 v1, v4;
	v4 =	vadd.f32 v28, v6;
	v6 =	vmax.f32 v10, $0.0e+00;
	(pc) =	sbr.rel @p0 .LBB2_2-.Ltmp8, $4  }
0x248: {  	v5 =	vmax.f32 v5, $0.0e+00;
	v3 =	vadd.f32 v60, v3;
	v2 =	vadd.f32 v6, v2  }
0x249: {  	v1 =	vadd.f32 v5, v1;
	v4 =	vadd.f32 v61, v4;
	v5 =	vmax.f32 v8, $0.0e+00  }
0x24a: {  	v7 =	vadd.f32 v57, v3;
	v9 =	vadd.f32 v5, v2;
	v2 =	vmax.f32 v11, $0.0e+00  }
0x24b: {  	v8 =	vadd.f32 v2, v1;
	v6 =	vadd.f32 v58, v4  }
0x24c: {  	_ =	swait.ge [sflag:s22], $0x800  }
0x24d: {  	[sflag:s22] =	ssyncset.done $0x0  }
0x24e: {  	[sflag:s22] =	ssyncadd.s32 $0xFFFFF800  }
0x24f: {  	_ =	swait.ge [sflag:s23], $0x800  }
0x250: {  	v1 =	vadd.f32 v8, v9;
	[sflag:s23] =	ssyncset.done $0x0  }
0x251: {  	[sflag:s23] =	ssyncadd.s32 $0xFFFFF800  }
0x252: {  	[tilespmem:$0x2100] =	vst v1  }
0x253: {  	[hbm4b:s9+s5] =	stream.linear.scatter [tilespmem:s26], [sflag:$0x5], $0x10, $0x38;
	[tilespmem:$0x2180] =	vst v63  }
0x254: {  	_ =	swait.ge [sflag:s14], $0x10  }
0x255: {  	s28 =	sadd.s32 $0x1, s28;
	v1 =	vadd.f32 v6, v7;
	[sflag:s14] =	ssyncset.done $0x0  }
0x256: {  	p0 =	sne.s32 s28, s13;
	[sflag:s14] =	ssyncadd.s32 $0xFFFFFFF0  }
.Ltmp9:
0x257: {  	[tilespmem:$0x2100] =	vst v1;
	(pc) =	sbr.rel @p0 .LBB2_1-.Ltmp9, $4  }
0x258: {  	[hbm4b:s12+s5] =	stream.linear.scatter [tilespmem:s26], [sflag:$0x5], $0x10, $0x38;
	[tilespmem:$0x2180] =	vst v63  }
0x259: {  	_ =	swait.ge [sflag:s14], $0x10  }
0x25a: {  	[sflag:s14] =	ssyncset.done $0x0  }
0x25b: {  	[sflag:s14] =	ssyncadd.s32 $0xFFFFFFF0  }
0x25c: {  	_ =	sfence.sel $0x180000  }
0x25d: {  	[bflag:$0x0] =	sbarrier.arrive $0xFFFF  }
0x25e: {  	_ =	strace $0x90000047  }
0x25f: {  	s0 =	stileid.u32;
	[bflag:$0x2] =	sbarrier.arrive $0xFFFF  }
0x260: {  	p0 =	sne.s32 s0, $0x0;
	s0 =	rddreg [dreg:$0x4]  }
0x261: {  	s0 =	sadd.s32 @!p0 $0x100000, s0  }
0x262: {  	[sflag:s0] =	ssyncadd.tile.s32 @!p0 $0x1;
	_ =	shalt  }
.Lfunc_end2:
_tile_overlayer_lowered:
.L_overlay_start_2:
0x263: {  	(tag) =	ssettag $0x2  }
0x264: {  	s0 =	rddreg [dreg:$0x0];
	s2 =	stileid.u32  }
0x265: {  	s1 =	rddreg [dreg:$0x1];
	p0 =	sne.s32 s2, $0x0  }
0x266: {  	s3 =	rddreg [dreg:$0x2];
	[bflag:$0x3] =	sbarrier.arrive $0xFFFF;
	s2 =	simm.s32 @!p0 $0x1C05  }
0x267: {  	[timem:s3], [sflag:s2] =	dma.local @!p0 [hbm:s0], s1  }
0x268: {  	s0 =	simm.s32 @!p0 $0x5  }
0x269: {  	_ =	swait.ge @!p0 [sflag:s0], s1  }
0x26a: {  	s1 =	ssub.s32 @!p0 $0x0, s1;
	[sflag:s0] =	ssyncset.done @!p0 $0x0  }
0x26b: {  	[sflag:s0] =	ssyncadd.s32 @!p0 s1  }
0x26c: {  	[bflag:$0x3] =	sbarrier.arrive $0xFFFF  }
0x26d: {  	_ =	shalt  }

</sc_bundles>
